<compile_context>
chip_gen: v7x
topology: tpu7x:2x2x1
jax: 0.10.2.dev20260603
libtpu: 0.0.44.dev20260713+nightly
codegen_flags: <defaults>
</compile_context>

<pallas_src>
import functools

import jax
import jax.numpy as jnp
from jax import lax
from jax.experimental import pallas as pl
from jax.experimental.pallas import tpu as pltpu
from jax.experimental.pallas import tpu_sc as plsc

B = 32
CH = 32
HW = 224 * 224
NCLS = 19
CLS_PAD = 20
ACC = 2 * CH * CLS_PAD
L = 16
ACC_E = ACC * L
U = 8
NCHUNK = 8
P = HW // NCHUNK
NU = CH * NCHUNK


def _sc_body(src_fea, trg_fea, src_lab, trg_lab, out_s, out_c,
             lab_buf, fea_buf0, fea_buf1, sum_acc, cnt_acc, sem0, sem1):
    nc = 2
    wid = lax.axis_index("s") * nc + lax.axis_index("c")
    b = wid

    zeros = jnp.zeros((L,), jnp.float32)
    ones = jnp.full((L,), 1.0, jnp.float32)
    lane = lax.iota(jnp.int32, L)

    @plsc.parallel_loop(0, ACC_E // L, unroll=U)
    def _(i):
        sum_acc[pl.ds(i * L, L)] = zeros
        cnt_acc[pl.ds(i * L, L)] = zeros

    for tensor, (fea_hbm, lab_hbm) in enumerate(
            ((src_fea, src_lab), (trg_fea, trg_lab))):
        pltpu.sync_copy(lab_hbm.at[pl.ds(b * HW, HW)], lab_buf)

        sum_base_t = tensor * CH * CLS_PAD

        def _src_slice(u):
            ch = u // NCHUNK
            off = (u % NCHUNK) * P
            return fea_hbm.at[pl.ds((b * CH + ch) * HW + off, P)]

        def start_u(u, buf, sem):
            pltpu.async_copy(_src_slice(u), buf, sem)

        def wait_u(u, buf, sem):
            pltpu.make_async_copy(_src_slice(u), buf, sem).wait()

        def compute_u(u, buf):
            base = sum_base_t + (u // NCHUNK) * CLS_PAD
            lab_off = (u % NCHUNK) * P

            @plsc.parallel_loop(0, P // L, unroll=U)
            def _(p):
                o = p * L
                l16 = lab_buf[pl.ds(lab_off + o, L)]
                v16 = buf[pl.ds(o, L)]
                plsc.addupdate_scatter(
                    sum_acc, [(l16 + base) * L + lane], v16)

        start_u(0, fea_buf0, sem0)

        cnt_base = (tensor * B + b) * CLS_PAD

        @plsc.parallel_loop(0, HW // L, unroll=U)
        def _(p):
            l16 = lab_buf[pl.ds(p * L, L)]
            plsc.addupdate_scatter(
                cnt_acc, [(l16 + cnt_base) * L + lane], ones)

        def pipe_body(u2, c):
            ua = 2 * u2
            start_u(ua + 1, fea_buf1, sem1)
            wait_u(ua, fea_buf0, sem0)
            compute_u(ua, fea_buf0)

            @pl.when(ua + 2 < NU)
            def _():
                start_u(ua + 2, fea_buf0, sem0)

            wait_u(ua + 1, fea_buf1, sem1)
            compute_u(ua + 1, fea_buf1)
            return c
        lax.fori_loop(0, NU // 2, pipe_body, 0)

    pltpu.sync_copy(sum_acc, out_s.at[wid])
    pltpu.sync_copy(cnt_acc, out_c.at[wid])


_sc_seg = functools.partial(
    pl.kernel,
    mesh=plsc.VectorSubcoreMesh(core_axis_name="c", subcore_axis_name="s"),
    out_type=[
        jax.ShapeDtypeStruct((B, ACC_E), jnp.float32),
        jax.ShapeDtypeStruct((B, ACC_E), jnp.float32),
    ],
    scratch_types=[
        pltpu.VMEM((HW,), jnp.int32),
        pltpu.VMEM((P,), jnp.float32),
        pltpu.VMEM((P,), jnp.float32),
        pltpu.VMEM((ACC_E,), jnp.float32),
        pltpu.VMEM((ACC_E,), jnp.float32),
        pltpu.SemaphoreType.DMA,
        pltpu.SemaphoreType.DMA,
    ],
    compiler_params=pltpu.CompilerParams(needs_layout_passes=False),
)(_sc_body)


def _loss_body(s_ref, c_ref, o_ref):
    s = jnp.sum(s_ref[...], axis=0)
    n = jnp.sum(c_ref[...], axis=0)
    row = lax.broadcasted_iota(jnp.int32, (128, 8), 0)
    col = lax.broadcasted_iota(jnp.int32, (128, 8), 1)
    w = (row // L == col).astype(jnp.float32)
    s = jnp.dot(s, w, preferred_element_type=jnp.float32)
    n = jnp.dot(n, w, preferred_element_type=jnp.float32)
    ctr = s / ((n + 1e-8) * B)
    half = CH * CLS_PAD // 8
    d = ctr[:half, :] - ctr[half:, :]
    o_ref[0, 0] = jnp.sqrt(jnp.sum(d * d))


def kernel(src_fea, trg_fea, src_labels, trg_pseudo_labels):
    sf = src_fea.reshape(-1)
    tf = trg_fea.reshape(-1)
    sl = src_labels.reshape(-1).astype(jnp.int32)
    tl = trg_pseudo_labels.reshape(-1).astype(jnp.int32)

    out_s, out_c = _sc_seg(sf, tf, sl, tl)

    loss = pl.pallas_call(
        _loss_body,
        out_shape=jax.ShapeDtypeStruct((1, 1), jnp.float32),
        out_specs=pl.BlockSpec(memory_space=pltpu.SMEM),
    )(out_s.reshape(B, ACC // 8, 128), out_c.reshape(B, ACC // 8, 128))
    return loss[0, 0]

# --- scband reference (transcript-rebuilt; emitter-appended) ---
"""Pipeline reference for scband-semantic-consistency-loss-21311627722971 (READ-ONLY COPY).

The authoritative reference and input builder live on the scoring server;
editing this copy changes nothing except your own understanding.
"""

import jax, jax.numpy as jnp
import numpy as np

NUM_CLASSES = 19

def setup_inputs(seed: int = 0) -> dict:
    key = jax.random.key(seed)
    k1, k2, k3, k4 = jax.random.split(key, 4)
    src_fea = jax.random.normal(k1, (32, 32, 224, 224), dtype=jnp.float32)
    trg_fea = jax.random.normal(k2, (32, 32, 224, 224), dtype=jnp.float32)
    src_labels = jax.random.randint(k3, (32, 224, 224), 0, NUM_CLASSES, dtype=jnp.int64 if jax.config.jax_enable_x64 else jnp.int32)
    trg_pseudo_labels = jax.random.randint(k4, (32, 224, 224), 0, NUM_CLASSES, dtype=jnp.int64 if jax.config.jax_enable_x64 else jnp.int32)
    return {"src_fea": src_fea, "trg_fea": trg_fea, "src_labels": src_labels, "trg_pseudo_labels": trg_pseudo_labels}

def _compute_class_centers(features, labels, num_classes):
    centers = []
    for c in range(num_classes):
        class_mask = (labels == c).astype(jnp.float32)            # [B, H, W]
        class_features = features * class_mask[:, None, :, :]     # [B, C, H, W]
        # NOTE: faithful to original torch broadcasting: [B, C] / [B] aligns on last axis (requires B == C)
        class_center = class_features.sum(axis=(2, 3)) / (class_mask.sum(axis=(1, 2)) + 1e-08)
        centers.append(class_center.mean(axis=0))
    return jnp.stack(centers, axis=0)                             # [num_classes, C]

def reference(src_fea, trg_fea, src_labels, trg_pseudo_labels):
    class_center_src = _compute_class_centers(src_fea, src_labels, NUM_CLASSES)
    class_center_trg = _compute_class_centers(trg_fea, trg_pseudo_labels, NUM_CLASSES)
    diff = class_center_src - class_center_trg
    # torch.norm(X, p=2) on a matrix = Frobenius norm
    similarity_loss = jnp.sqrt(jnp.sum(diff * diff))
    return similarity_loss

if __name__ == "__main__":
    import jax
    _d = setup_inputs()
    print(jax.jit(kernel)(*tuple(_d.values())))

</pallas_src>

<mosaic_0001>
#map = affine_map<(d0, d1) -> (0)>
#map1 = affine_map<(d0, d1) -> (0, 0)>
module attributes {stable_mosaic.version = 14 : i64} {
  func.func @_sc_body(%arg0: i32, %arg1: i32, %arg2: memref<51380224xf32, #tpu.memory_space<hbm>>, %arg3: memref<51380224xf32, #tpu.memory_space<hbm>>, %arg4: memref<1605632xi32, #tpu.memory_space<hbm>>, %arg5: memref<1605632xi32, #tpu.memory_space<hbm>>, %arg6: memref<32x20480xf32, #tpu.memory_space<hbm>>, %arg7: memref<32x20480xf32, #tpu.memory_space<hbm>>, %arg8: memref<50176xi32, #tpu.memory_space<vmem>>, %arg9: memref<6272xf32, #tpu.memory_space<vmem>>, %arg10: memref<6272xf32, #tpu.memory_space<vmem>>, %arg11: memref<20480xf32, #tpu.memory_space<vmem>>, %arg12: memref<20480xf32, #tpu.memory_space<vmem>>, %arg13: memref<!tpu.dma_semaphore, #tpu.memory_space<semaphore_mem>>, %arg14: memref<!tpu.dma_semaphore, #tpu.memory_space<semaphore_mem>>) attributes {dimension_semantics = [#tpu.dimension_semantics<core_parallel>, #tpu.dimension_semantics<subcore_parallel>], iteration_bounds = array<i64: 2, 16>, scalar_prefetch = 0 : i64, scratch_operands = 7 : i64, tpu.core_type = #tpu.core_type<sc_vector_subcore>, window_params = [{transform_indices = #map}, {transform_indices = #map}, {transform_indices = #map}, {transform_indices = #map}, {transform_indices = #map1}, {transform_indices = #map1}]} {
    %mul3A = arith.constant 2 : i32
    %mul3A_0 = arith.muli %arg1, %mul3A : i32
    %add3A = arith.addi %mul3A_0, %arg0 : i32
    %broadcast_in_dim3A = arith.constant 0.000000e+00 : f32
    %broadcast_in_dim3A_1 = vector.broadcast %broadcast_in_dim3A : f32 to vector<16xf32>
    %broadcast_in_dim3A_2 = arith.constant 1.000000e+00 : f32
    %broadcast_in_dim3A_3 = vector.broadcast %broadcast_in_dim3A_2 : f32 to vector<16xf32>
    %iota3A = tpu.iota {dimensions = array<i32: 0>} : vector<16xi32>
    %parallel_loop3A = arith.constant 0 : i32
    %parallel_loop3A_4 = arith.constant 1280 : i32
    %parallel_loop3A_5 = arith.constant 1 : i32
    scf.for %parallel_loop3A_54 = %parallel_loop3A to %parallel_loop3A_4 step %parallel_loop3A_5  : i32 {
      %parallel_loop3A_55 = arith.constant 16 : i32
      %parallel_loop3A_56 = arith.muli %parallel_loop3A_54, %parallel_loop3A_55 : i32
      %parallel_loop3A_57 = arith.index_cast %parallel_loop3A_56 : i32 to index
      %parallel_loop3A_58 = tpu.vector_load %arg11[%parallel_loop3A_57] {strides = array<i32>} : memref<20480xf32, #tpu.memory_space<vmem>>, vector<16xf32>,
      tpu.vector_store %arg11[%parallel_loop3A_57], %broadcast_in_dim3A_1 {strides = array<i32>} : memref<20480xf32, #tpu.memory_space<vmem>>, vector<16xf32>,
      %parallel_loop3A_59 = arith.constant 16 : i32
      %parallel_loop3A_60 = arith.muli %parallel_loop3A_54, %parallel_loop3A_59 : i32
      %parallel_loop3A_61 = arith.index_cast %parallel_loop3A_60 : i32 to index
      %parallel_loop3A_62 = tpu.vector_load %arg12[%parallel_loop3A_61] {strides = array<i32>} : memref<20480xf32, #tpu.memory_space<vmem>>, vector<16xf32>,
      tpu.vector_store %arg12[%parallel_loop3A_61], %broadcast_in_dim3A_1 {strides = array<i32>} : memref<20480xf32, #tpu.memory_space<vmem>>, vector<16xf32>,
    } {sc.loop_unroll_factor = 8 : i64, sc.parallel_access}
    %mul3A_6 = arith.constant 50176 : i32
    %mul3A_7 = arith.muli %add3A, %mul3A_6 : i32
    "tpu.region"() ({
      %run_scoped3A = tpu.sem_alloc : memref<!tpu.dma_semaphore, #tpu.memory_space<semaphore_mem>>
      %dma_start3A_54 = tpu.memref_slice %arg4[%mul3A_7] : memref<1605632xi32, #tpu.memory_space<hbm>> -> memref<50176xi32, #tpu.memory_space<hbm>>
      %dma_start3A_55 = tpu.memref_slice %arg4[%mul3A_7] : memref<1605632xi32, #tpu.memory_space<hbm>> -> memref<50176xi32, #tpu.memory_space<hbm>>
      tpu.enqueue_dma source(%dma_start3A_55 : memref<50176xi32, #tpu.memory_space<hbm>>) target(%arg8 : memref<50176xi32, #tpu.memory_space<vmem>>) target_semaphore(%run_scoped3A : memref<!tpu.dma_semaphore, #tpu.memory_space<semaphore_mem>>)
      %dma_wait3A = tpu.memref_slice %arg4[%mul3A_7] : memref<1605632xi32, #tpu.memory_space<hbm>> -> memref<50176xi32, #tpu.memory_space<hbm>>
      %dma_wait3A_56 = tpu.memref_slice %arg4[%mul3A_7] : memref<1605632xi32, #tpu.memory_space<hbm>> -> memref<50176xi32, #tpu.memory_space<hbm>>
      tpu.wait_dma2 semaphore(%run_scoped3A : memref<!tpu.dma_semaphore, #tpu.memory_space<semaphore_mem>>) src(%dma_wait3A_56 : memref<50176xi32, #tpu.memory_space<hbm>>) dst(%arg8 : memref<50176xi32, #tpu.memory_space<vmem>>)
      tpu.yield
    }) : () -> ()
    %mul3A_8 = arith.constant 32 : i32
    %mul3A_9 = arith.muli %add3A, %mul3A_8 : i32
    %add3A_10 = arith.constant 0 : i32
    %add3A_11 = arith.addi %mul3A_9, %add3A_10 : i32
    %mul3A_12 = arith.constant 50176 : i32
    %mul3A_13 = arith.muli %add3A_11, %mul3A_12 : i32
    %add3A_14 = arith.constant 0 : i32
    %add3A_15 = arith.addi %mul3A_13, %add3A_14 : i32
    %dma_start3A = tpu.memref_slice %arg2[%add3A_15] : memref<51380224xf32, #tpu.memory_space<hbm>> -> memref<6272xf32, #tpu.memory_space<hbm>>
    %dma_start3A_16 = tpu.memref_slice %arg2[%add3A_15] : memref<51380224xf32, #tpu.memory_space<hbm>> -> memref<6272xf32, #tpu.memory_space<hbm>>
    tpu.enqueue_dma source(%dma_start3A_16 : memref<6272xf32, #tpu.memory_space<hbm>>) target(%arg9 : memref<6272xf32, #tpu.memory_space<vmem>>) target_semaphore(%arg13 : memref<!tpu.dma_semaphore, #tpu.memory_space<semaphore_mem>>)
    %add3A_17 = arith.constant 0 : i32
    %add3A_18 = arith.addi %add3A_17, %add3A : i32
    %mul3A_19 = arith.constant 20 : i32
    %mul3A_20 = arith.muli %add3A_18, %mul3A_19 : i32
    %parallel_loop3A_21 = arith.constant 0 : i32
    %parallel_loop3A_22 = arith.constant 3136 : i32
    %parallel_loop3A_23 = arith.constant 1 : i32
    scf.for %parallel_loop3A_54 = %parallel_loop3A_21 to %parallel_loop3A_22 step %parallel_loop3A_23  : i32 {
      %parallel_loop3A_55 = arith.constant 16 : i32
      %parallel_loop3A_56 = arith.muli %parallel_loop3A_54, %parallel_loop3A_55 : i32
      %parallel_loop3A_57 = arith.index_cast %parallel_loop3A_56 : i32 to index
      %parallel_loop3A_58 = tpu.vector_load %arg8[%parallel_loop3A_57] {strides = array<i32>} : memref<50176xi32, #tpu.memory_space<vmem>>, vector<16xi32>,
      %parallel_loop3A_59 = vector.broadcast %mul3A_20 : i32 to vector<16xi32>
      %parallel_loop3A_60 = arith.addi %parallel_loop3A_58, %parallel_loop3A_59 : vector<16xi32>
      %parallel_loop3A_61 = arith.constant 16 : i32
      %parallel_loop3A_62 = vector.broadcast %parallel_loop3A_61 : i32 to vector<16xi32>
      %parallel_loop3A_63 = arith.muli %parallel_loop3A_60, %parallel_loop3A_62 : vector<16xi32>
      %parallel_loop3A_64 = arith.addi %parallel_loop3A_63, %iota3A : vector<16xi32>
      tpu.vector_store_idx %arg12[%parallel_loop3A_64], %broadcast_in_dim3A_3 {add = true} : memref<20480xf32, #tpu.memory_space<vmem>>[vector<16xi32>], vector<16xf32>,
    } {sc.loop_unroll_factor = 8 : i64, sc.parallel_access}
    %scan3A = arith.constant 0 : i32
    %scan3A_24 = arith.constant 0 : i32
    %scan3A_25 = arith.constant 128 : i32
    %scan3A_26 = arith.addi %scan3A_24, %scan3A_25 : i32
    %scan3A_27 = arith.constant 1 : i32
    scf.for %scan3A_54 = %scan3A_24 to %scan3A_26 step %scan3A_27  : i32 {
      %mul3A_55 = arith.constant 2 : i32
      %mul3A_56 = arith.muli %mul3A_55, %scan3A_54 : i32
      %add3A_57 = arith.constant 1 : i32
      %add3A_58 = arith.addi %mul3A_56, %add3A_57 : i32
      %jit3A = arith.constant 8 : i32
      %div3A = arith.divsi %add3A_58, %jit3A : i32
      %sign3A = arith.constant 0 : i32
      %sign3A_59 = arith.cmpi sgt, %add3A_58, %sign3A : i32
      %sign3A_60 = arith.extui %sign3A_59 : i1 to i32
      %sign3A_61 = arith.constant 0 : i32
      %sign3A_62 = arith.cmpi slt, %add3A_58, %sign3A_61 : i32
      %sign3A_63 = arith.extui %sign3A_62 : i1 to i32
      %sign3A_64 = arith.subi %sign3A_60, %sign3A_63 : i32
      %sign3A_65 = arith.constant 0 : i32
      %sign3A_66 = arith.cmpi sgt, %jit3A, %sign3A_65 : i32
      %sign3A_67 = arith.extui %sign3A_66 : i1 to i32
      %sign3A_68 = arith.constant 0 : i32
      %sign3A_69 = arith.cmpi slt, %jit3A, %sign3A_68 : i32
      %sign3A_70 = arith.extui %sign3A_69 : i1 to i32
      %sign3A_71 = arith.subi %sign3A_67, %sign3A_70 : i32
      %ne3A = arith.cmpi ne, %sign3A_64, %sign3A_71 : i32
      %rem3A = arith.remsi %add3A_58, %jit3A : i32
      %ne3A_72 = arith.constant 0 : i32
      %ne3A_73 = arith.cmpi ne, %rem3A, %ne3A_72 : i32
      %and3A = arith.andi %ne3A, %ne3A_73 : i1
      %sub3A = arith.constant 1 : i32
      %sub3A_74 = arith.subi %div3A, %sub3A : i32
      %select_n3A = arith.select %and3A, %sub3A_74, %div3A : i32
      %jit3A_75 = arith.constant 8 : i32
      %eq3A = arith.constant 0 : i32
      %eq3A_76 = arith.cmpi eq, %jit3A_75, %eq3A : i32
      %jit3A_77 = arith.constant 1 : i32
      %select_n3A_78 = arith.select %eq3A_76, %jit3A_77, %jit3A_75 : i32
      %rem3A_79 = arith.remsi %add3A_58, %select_n3A_78 : i32
      %ne3A_80 = arith.constant 0 : i32
      %ne3A_81 = arith.cmpi ne, %rem3A_79, %ne3A_80 : i32
      %lt3A = arith.constant 0 : i32
      %lt3A_82 = arith.cmpi slt, %rem3A_79, %lt3A : i32
      %lt3A_83 = arith.constant 0 : i32
      %lt3A_84 = arith.cmpi slt, %select_n3A_78, %lt3A_83 : i32
      %ne3A_85 = arith.xori %lt3A_82, %lt3A_84 : i1
      %and3A_86 = arith.andi %ne3A_85, %ne3A_81 : i1
      %add3A_87 = arith.addi %rem3A_79, %select_n3A_78 : i32
      %select_n3A_88 = arith.select %and3A_86, %add3A_87, %rem3A_79 : i32
      %mul3A_89 = arith.constant 6272 : i32
      %mul3A_90 = arith.muli %select_n3A_88, %mul3A_89 : i32
      %mul3A_91 = arith.constant 32 : i32
      %mul3A_92 = arith.muli %add3A, %mul3A_91 : i32
      %add3A_93 = arith.addi %mul3A_92, %select_n3A : i32
      %mul3A_94 = arith.constant 50176 : i32
      %mul3A_95 = arith.muli %add3A_93, %mul3A_94 : i32
      %add3A_96 = arith.addi %mul3A_95, %mul3A_90 : i32
      %dma_start3A_97 = tpu.memref_slice %arg2[%add3A_96] : memref<51380224xf32, #tpu.memory_space<hbm>> -> memref<6272xf32, #tpu.memory_space<hbm>>
      %dma_start3A_98 = tpu.memref_slice %arg2[%add3A_96] : memref<51380224xf32, #tpu.memory_space<hbm>> -> memref<6272xf32, #tpu.memory_space<hbm>>
      tpu.enqueue_dma source(%dma_start3A_98 : memref<6272xf32, #tpu.memory_space<hbm>>) target(%arg10 : memref<6272xf32, #tpu.memory_space<vmem>>) target_semaphore(%arg14 : memref<!tpu.dma_semaphore, #tpu.memory_space<semaphore_mem>>)
      %jit3A_99 = arith.constant 8 : i32
      %div3A_100 = arith.divsi %mul3A_56, %jit3A_99 : i32
      %sign3A_101 = arith.constant 0 : i32
      %sign3A_102 = arith.cmpi sgt, %mul3A_56, %sign3A_101 : i32
      %sign3A_103 = arith.extui %sign3A_102 : i1 to i32
      %sign3A_104 = arith.constant 0 : i32
      %sign3A_105 = arith.cmpi slt, %mul3A_56, %sign3A_104 : i32
      %sign3A_106 = arith.extui %sign3A_105 : i1 to i32
      %sign3A_107 = arith.subi %sign3A_103, %sign3A_106 : i32
      %sign3A_108 = arith.constant 0 : i32
      %sign3A_109 = arith.cmpi sgt, %jit3A_99, %sign3A_108 : i32
      %sign3A_110 = arith.extui %sign3A_109 : i1 to i32
      %sign3A_111 = arith.constant 0 : i32
      %sign3A_112 = arith.cmpi slt, %jit3A_99, %sign3A_111 : i32
      %sign3A_113 = arith.extui %sign3A_112 : i1 to i32
      %sign3A_114 = arith.subi %sign3A_110, %sign3A_113 : i32
      %ne3A_115 = arith.cmpi ne, %sign3A_107, %sign3A_114 : i32
      %rem3A_116 = arith.remsi %mul3A_56, %jit3A_99 : i32
      %ne3A_117 = arith.constant 0 : i32
      %ne3A_118 = arith.cmpi ne, %rem3A_116, %ne3A_117 : i32
      %and3A_119 = arith.andi %ne3A_115, %ne3A_118 : i1
      %sub3A_120 = arith.constant 1 : i32
      %sub3A_121 = arith.subi %div3A_100, %sub3A_120 : i32
      %select_n3A_122 = arith.select %and3A_119, %sub3A_121, %div3A_100 : i32
      %jit3A_123 = arith.constant 8 : i32
      %eq3A_124 = arith.constant 0 : i32
      %eq3A_125 = arith.cmpi eq, %jit3A_123, %eq3A_124 : i32
      %jit3A_126 = arith.constant 1 : i32
      %select_n3A_127 = arith.select %eq3A_125, %jit3A_126, %jit3A_123 : i32
      %rem3A_128 = arith.remsi %mul3A_56, %select_n3A_127 : i32
      %ne3A_129 = arith.constant 0 : i32
      %ne3A_130 = arith.cmpi ne, %rem3A_128, %ne3A_129 : i32
      %lt3A_131 = arith.constant 0 : i32
      %lt3A_132 = arith.cmpi slt, %rem3A_128, %lt3A_131 : i32
      %lt3A_133 = arith.constant 0 : i32
      %lt3A_134 = arith.cmpi slt, %select_n3A_127, %lt3A_133 : i32
      %ne3A_135 = arith.xori %lt3A_132, %lt3A_134 : i1
      %and3A_136 = arith.andi %ne3A_135, %ne3A_130 : i1
      %add3A_137 = arith.addi %rem3A_128, %select_n3A_127 : i32
      %select_n3A_138 = arith.select %and3A_136, %add3A_137, %rem3A_128 : i32
      %mul3A_139 = arith.constant 6272 : i32
      %mul3A_140 = arith.muli %select_n3A_138, %mul3A_139 : i32
      %mul3A_141 = arith.constant 32 : i32
      %mul3A_142 = arith.muli %add3A, %mul3A_141 : i32
      %add3A_143 = arith.addi %mul3A_142, %select_n3A_122 : i32
      %mul3A_144 = arith.constant 50176 : i32
      %mul3A_145 = arith.muli %add3A_143, %mul3A_144 : i32
      %add3A_146 = arith.addi %mul3A_145, %mul3A_140 : i32
      %dma_wait3A = tpu.memref_slice %arg2[%add3A_146] : memref<51380224xf32, #tpu.memory_space<hbm>> -> memref<6272xf32, #tpu.memory_space<hbm>>
      %dma_wait3A_147 = tpu.memref_slice %arg2[%add3A_146] : memref<51380224xf32, #tpu.memory_space<hbm>> -> memref<6272xf32, #tpu.memory_space<hbm>>
      tpu.wait_dma2 semaphore(%arg13 : memref<!tpu.dma_semaphore, #tpu.memory_space<semaphore_mem>>) src(%dma_wait3A_147 : memref<6272xf32, #tpu.memory_space<hbm>>) dst(%arg9 : memref<6272xf32, #tpu.memory_space<vmem>>)
      %jit3A_148 = arith.constant 8 : i32
      %div3A_149 = arith.divsi %mul3A_56, %jit3A_148 : i32
      %sign3A_150 = arith.constant 0 : i32
      %sign3A_151 = arith.cmpi sgt, %mul3A_56, %sign3A_150 : i32
      %sign3A_152 = arith.extui %sign3A_151 : i1 to i32
      %sign3A_153 = arith.constant 0 : i32
      %sign3A_154 = arith.cmpi slt, %mul3A_56, %sign3A_153 : i32
      %sign3A_155 = arith.extui %sign3A_154 : i1 to i32
      %sign3A_156 = arith.subi %sign3A_152, %sign3A_155 : i32
      %sign3A_157 = arith.constant 0 : i32
      %sign3A_158 = arith.cmpi sgt, %jit3A_148, %sign3A_157 : i32
      %sign3A_159 = arith.extui %sign3A_158 : i1 to i32
      %sign3A_160 = arith.constant 0 : i32
      %sign3A_161 = arith.cmpi slt, %jit3A_148, %sign3A_160 : i32
      %sign3A_162 = arith.extui %sign3A_161 : i1 to i32
      %sign3A_163 = arith.subi %sign3A_159, %sign3A_162 : i32
      %ne3A_164 = arith.cmpi ne, %sign3A_156, %sign3A_163 : i32
      %rem3A_165 = arith.remsi %mul3A_56, %jit3A_148 : i32
      %ne3A_166 = arith.constant 0 : i32
      %ne3A_167 = arith.cmpi ne, %rem3A_165, %ne3A_166 : i32
      %and3A_168 = arith.andi %ne3A_164, %ne3A_167 : i1
      %sub3A_169 = arith.constant 1 : i32
      %sub3A_170 = arith.subi %div3A_149, %sub3A_169 : i32
      %select_n3A_171 = arith.select %and3A_168, %sub3A_170, %div3A_149 : i32
      %mul3A_172 = arith.constant 20 : i32
      %mul3A_173 = arith.muli %select_n3A_171, %mul3A_172 : i32
      %add3A_174 = arith.constant 0 : i32
      %add3A_175 = arith.addi %add3A_174, %mul3A_173 : i32
      %jit3A_176 = arith.constant 8 : i32
      %eq3A_177 = arith.constant 0 : i32
      %eq3A_178 = arith.cmpi eq, %jit3A_176, %eq3A_177 : i32
      %jit3A_179 = arith.constant 1 : i32
      %select_n3A_180 = arith.select %eq3A_178, %jit3A_179, %jit3A_176 : i32
      %rem3A_181 = arith.remsi %mul3A_56, %select_n3A_180 : i32
      %ne3A_182 = arith.constant 0 : i32
      %ne3A_183 = arith.cmpi ne, %rem3A_181, %ne3A_182 : i32
      %lt3A_184 = arith.constant 0 : i32
      %lt3A_185 = arith.cmpi slt, %rem3A_181, %lt3A_184 : i32
      %lt3A_186 = arith.constant 0 : i32
      %lt3A_187 = arith.cmpi slt, %select_n3A_180, %lt3A_186 : i32
      %ne3A_188 = arith.xori %lt3A_185, %lt3A_187 : i1
      %and3A_189 = arith.andi %ne3A_188, %ne3A_183 : i1
      %add3A_190 = arith.addi %rem3A_181, %select_n3A_180 : i32
      %select_n3A_191 = arith.select %and3A_189, %add3A_190, %rem3A_181 : i32
      %mul3A_192 = arith.constant 6272 : i32
      %mul3A_193 = arith.muli %select_n3A_191, %mul3A_192 : i32
      %parallel_loop3A_194 = arith.constant 0 : i32
      %parallel_loop3A_195 = arith.constant 392 : i32
      %parallel_loop3A_196 = arith.constant 1 : i32
      scf.for %parallel_loop3A_305 = %parallel_loop3A_194 to %parallel_loop3A_195 step %parallel_loop3A_196  : i32 {
        %parallel_loop3A_306 = arith.constant 16 : i32
        %parallel_loop3A_307 = arith.muli %parallel_loop3A_305, %parallel_loop3A_306 : i32
        %parallel_loop3A_308 = arith.addi %mul3A_193, %parallel_loop3A_307 : i32
        %parallel_loop3A_309 = arith.index_cast %parallel_loop3A_308 : i32 to index
        %parallel_loop3A_310 = tpu.vector_load %arg8[%parallel_loop3A_309] {strides = array<i32>} : memref<50176xi32, #tpu.memory_space<vmem>>, vector<16xi32>,
        %parallel_loop3A_311 = arith.index_cast %parallel_loop3A_307 : i32 to index
        %parallel_loop3A_312 = tpu.vector_load %arg9[%parallel_loop3A_311] {strides = array<i32>} : memref<6272xf32, #tpu.memory_space<vmem>>, vector<16xf32>,
        %parallel_loop3A_313 = vector.broadcast %add3A_175 : i32 to vector<16xi32>
        %parallel_loop3A_314 = arith.addi %parallel_loop3A_310, %parallel_loop3A_313 : vector<16xi32>
        %parallel_loop3A_315 = arith.constant 16 : i32
        %parallel_loop3A_316 = vector.broadcast %parallel_loop3A_315 : i32 to vector<16xi32>
        %parallel_loop3A_317 = arith.muli %parallel_loop3A_314, %parallel_loop3A_316 : vector<16xi32>
        %parallel_loop3A_318 = arith.addi %parallel_loop3A_317, %iota3A : vector<16xi32>
        tpu.vector_store_idx %arg11[%parallel_loop3A_318], %parallel_loop3A_312 {add = true} : memref<20480xf32, #tpu.memory_space<vmem>>[vector<16xi32>], vector<16xf32>,
      } {sc.loop_unroll_factor = 8 : i64, sc.parallel_access}
      %add3A_197 = arith.constant 2 : i32
      %add3A_198 = arith.addi %mul3A_56, %add3A_197 : i32
      %lt3A_199 = arith.constant 256 : i32
      %lt3A_200 = arith.cmpi slt, %add3A_198, %lt3A_199 : i32
      %convert_element_type3A = arith.extui %lt3A_200 : i1 to i32
      %cond3A = arith.constant 0 : i32
      %cond3A_201 = arith.cmpi ne, %convert_element_type3A, %cond3A : i32
      scf.if %cond3A_201 {
        %add3A_305 = arith.constant 2 : i32
        %add3A_306 = arith.addi %mul3A_56, %add3A_305 : i32
        %jit3A_307 = arith.constant 8 : i32
        %div3A_308 = arith.divsi %add3A_306, %jit3A_307 : i32
        %sign3A_309 = arith.constant 0 : i32
        %sign3A_310 = arith.cmpi sgt, %add3A_306, %sign3A_309 : i32
        %sign3A_311 = arith.extui %sign3A_310 : i1 to i32
        %sign3A_312 = arith.constant 0 : i32
        %sign3A_313 = arith.cmpi slt, %add3A_306, %sign3A_312 : i32
        %sign3A_314 = arith.extui %sign3A_313 : i1 to i32
        %sign3A_315 = arith.subi %sign3A_311, %sign3A_314 : i32
        %sign3A_316 = arith.constant 0 : i32
        %sign3A_317 = arith.cmpi sgt, %jit3A_307, %sign3A_316 : i32
        %sign3A_318 = arith.extui %sign3A_317 : i1 to i32
        %sign3A_319 = arith.constant 0 : i32
        %sign3A_320 = arith.cmpi slt, %jit3A_307, %sign3A_319 : i32
        %sign3A_321 = arith.extui %sign3A_320 : i1 to i32
        %sign3A_322 = arith.subi %sign3A_318, %sign3A_321 : i32
        %ne3A_323 = arith.cmpi ne, %sign3A_315, %sign3A_322 : i32
        %rem3A_324 = arith.remsi %add3A_306, %jit3A_307 : i32
        %ne3A_325 = arith.constant 0 : i32
        %ne3A_326 = arith.cmpi ne, %rem3A_324, %ne3A_325 : i32
        %and3A_327 = arith.andi %ne3A_323, %ne3A_326 : i1
        %sub3A_328 = arith.constant 1 : i32
        %sub3A_329 = arith.subi %div3A_308, %sub3A_328 : i32
        %select_n3A_330 = arith.select %and3A_327, %sub3A_329, %div3A_308 : i32
        %jit3A_331 = arith.constant 8 : i32
        %eq3A_332 = arith.constant 0 : i32
        %eq3A_333 = arith.cmpi eq, %jit3A_331, %eq3A_332 : i32
        %jit3A_334 = arith.constant 1 : i32
        %select_n3A_335 = arith.select %eq3A_333, %jit3A_334, %jit3A_331 : i32
        %rem3A_336 = arith.remsi %add3A_306, %select_n3A_335 : i32
        %ne3A_337 = arith.constant 0 : i32
        %ne3A_338 = arith.cmpi ne, %rem3A_336, %ne3A_337 : i32
        %lt3A_339 = arith.constant 0 : i32
        %lt3A_340 = arith.cmpi slt, %rem3A_336, %lt3A_339 : i32
        %lt3A_341 = arith.constant 0 : i32
        %lt3A_342 = arith.cmpi slt, %select_n3A_335, %lt3A_341 : i32
        %ne3A_343 = arith.xori %lt3A_340, %lt3A_342 : i1
        %and3A_344 = arith.andi %ne3A_343, %ne3A_338 : i1
        %add3A_345 = arith.addi %rem3A_336, %select_n3A_335 : i32
        %select_n3A_346 = arith.select %and3A_344, %add3A_345, %rem3A_336 : i32
        %mul3A_347 = arith.constant 6272 : i32
        %mul3A_348 = arith.muli %select_n3A_346, %mul3A_347 : i32
        %mul3A_349 = arith.constant 32 : i32
        %mul3A_350 = arith.muli %add3A, %mul3A_349 : i32
        %add3A_351 = arith.addi %mul3A_350, %select_n3A_330 : i32
        %mul3A_352 = arith.constant 50176 : i32
        %mul3A_353 = arith.muli %add3A_351, %mul3A_352 : i32
        %add3A_354 = arith.addi %mul3A_353, %mul3A_348 : i32
        %dma_start3A_355 = tpu.memref_slice %arg2[%add3A_354] : memref<51380224xf32, #tpu.memory_space<hbm>> -> memref<6272xf32, #tpu.memory_space<hbm>>
        %dma_start3A_356 = tpu.memref_slice %arg2[%add3A_354] : memref<51380224xf32, #tpu.memory_space<hbm>> -> memref<6272xf32, #tpu.memory_space<hbm>>
        tpu.enqueue_dma source(%dma_start3A_356 : memref<6272xf32, #tpu.memory_space<hbm>>) target(%arg9 : memref<6272xf32, #tpu.memory_space<vmem>>) target_semaphore(%arg13 : memref<!tpu.dma_semaphore, #tpu.memory_space<semaphore_mem>>)
      } else {
      }
      %add3A_202 = arith.constant 1 : i32
      %add3A_203 = arith.addi %mul3A_56, %add3A_202 : i32
      %jit3A_204 = arith.constant 8 : i32
      %div3A_205 = arith.divsi %add3A_203, %jit3A_204 : i32
      %sign3A_206 = arith.constant 0 : i32
      %sign3A_207 = arith.cmpi sgt, %add3A_203, %sign3A_206 : i32
      %sign3A_208 = arith.extui %sign3A_207 : i1 to i32
      %sign3A_209 = arith.constant 0 : i32
      %sign3A_210 = arith.cmpi slt, %add3A_203, %sign3A_209 : i32
      %sign3A_211 = arith.extui %sign3A_210 : i1 to i32
      %sign3A_212 = arith.subi %sign3A_208, %sign3A_211 : i32
      %sign3A_213 = arith.constant 0 : i32
      %sign3A_214 = arith.cmpi sgt, %jit3A_204, %sign3A_213 : i32
      %sign3A_215 = arith.extui %sign3A_214 : i1 to i32
      %sign3A_216 = arith.constant 0 : i32
      %sign3A_217 = arith.cmpi slt, %jit3A_204, %sign3A_216 : i32
      %sign3A_218 = arith.extui %sign3A_217 : i1 to i32
      %sign3A_219 = arith.subi %sign3A_215, %sign3A_218 : i32
      %ne3A_220 = arith.cmpi ne, %sign3A_212, %sign3A_219 : i32
      %rem3A_221 = arith.remsi %add3A_203, %jit3A_204 : i32
      %ne3A_222 = arith.constant 0 : i32
      %ne3A_223 = arith.cmpi ne, %rem3A_221, %ne3A_222 : i32
      %and3A_224 = arith.andi %ne3A_220, %ne3A_223 : i1
      %sub3A_225 = arith.constant 1 : i32
      %sub3A_226 = arith.subi %div3A_205, %sub3A_225 : i32
      %select_n3A_227 = arith.select %and3A_224, %sub3A_226, %div3A_205 : i32
      %jit3A_228 = arith.constant 8 : i32
      %eq3A_229 = arith.constant 0 : i32
      %eq3A_230 = arith.cmpi eq, %jit3A_228, %eq3A_229 : i32
      %jit3A_231 = arith.constant 1 : i32
      %select_n3A_232 = arith.select %eq3A_230, %jit3A_231, %jit3A_228 : i32
      %rem3A_233 = arith.remsi %add3A_203, %select_n3A_232 : i32
      %ne3A_234 = arith.constant 0 : i32
      %ne3A_235 = arith.cmpi ne, %rem3A_233, %ne3A_234 : i32
      %lt3A_236 = arith.constant 0 : i32
      %lt3A_237 = arith.cmpi slt, %rem3A_233, %lt3A_236 : i32
      %lt3A_238 = arith.constant 0 : i32
      %lt3A_239 = arith.cmpi slt, %select_n3A_232, %lt3A_238 : i32
      %ne3A_240 = arith.xori %lt3A_237, %lt3A_239 : i1
      %and3A_241 = arith.andi %ne3A_240, %ne3A_235 : i1
      %add3A_242 = arith.addi %rem3A_233, %select_n3A_232 : i32
      %select_n3A_243 = arith.select %and3A_241, %add3A_242, %rem3A_233 : i32
      %mul3A_244 = arith.constant 6272 : i32
      %mul3A_245 = arith.muli %select_n3A_243, %mul3A_244 : i32
      %mul3A_246 = arith.constant 32 : i32
      %mul3A_247 = arith.muli %add3A, %mul3A_246 : i32
      %add3A_248 = arith.addi %mul3A_247, %select_n3A_227 : i32
      %mul3A_249 = arith.constant 50176 : i32
      %mul3A_250 = arith.muli %add3A_248, %mul3A_249 : i32
      %add3A_251 = arith.addi %mul3A_250, %mul3A_245 : i32
      %dma_wait3A_252 = tpu.memref_slice %arg2[%add3A_251] : memref<51380224xf32, #tpu.memory_space<hbm>> -> memref<6272xf32, #tpu.memory_space<hbm>>
      %dma_wait3A_253 = tpu.memref_slice %arg2[%add3A_251] : memref<51380224xf32, #tpu.memory_space<hbm>> -> memref<6272xf32, #tpu.memory_space<hbm>>
      tpu.wait_dma2 semaphore(%arg14 : memref<!tpu.dma_semaphore, #tpu.memory_space<semaphore_mem>>) src(%dma_wait3A_253 : memref<6272xf32, #tpu.memory_space<hbm>>) dst(%arg10 : memref<6272xf32, #tpu.memory_space<vmem>>)
      %add3A_254 = arith.constant 1 : i32
      %add3A_255 = arith.addi %mul3A_56, %add3A_254 : i32
      %jit3A_256 = arith.constant 8 : i32
      %div3A_257 = arith.divsi %add3A_255, %jit3A_256 : i32
      %sign3A_258 = arith.constant 0 : i32
      %sign3A_259 = arith.cmpi sgt, %add3A_255, %sign3A_258 : i32
      %sign3A_260 = arith.extui %sign3A_259 : i1 to i32
      %sign3A_261 = arith.constant 0 : i32
      %sign3A_262 = arith.cmpi slt, %add3A_255, %sign3A_261 : i32
      %sign3A_263 = arith.extui %sign3A_262 : i1 to i32
      %sign3A_264 = arith.subi %sign3A_260, %sign3A_263 : i32
      %sign3A_265 = arith.constant 0 : i32
      %sign3A_266 = arith.cmpi sgt, %jit3A_256, %sign3A_265 : i32
      %sign3A_267 = arith.extui %sign3A_266 : i1 to i32
      %sign3A_268 = arith.constant 0 : i32
      %sign3A_269 = arith.cmpi slt, %jit3A_256, %sign3A_268 : i32
      %sign3A_270 = arith.extui %sign3A_269 : i1 to i32
      %sign3A_271 = arith.subi %sign3A_267, %sign3A_270 : i32
      %ne3A_272 = arith.cmpi ne, %sign3A_264, %sign3A_271 : i32
      %rem3A_273 = arith.remsi %add3A_255, %jit3A_256 : i32
      %ne3A_274 = arith.constant 0 : i32
      %ne3A_275 = arith.cmpi ne, %rem3A_273, %ne3A_274 : i32
      %and3A_276 = arith.andi %ne3A_272, %ne3A_275 : i1
      %sub3A_277 = arith.constant 1 : i32
      %sub3A_278 = arith.subi %div3A_257, %sub3A_277 : i32
      %select_n3A_279 = arith.select %and3A_276, %sub3A_278, %div3A_257 : i32
      %mul3A_280 = arith.constant 20 : i32
      %mul3A_281 = arith.muli %select_n3A_279, %mul3A_280 : i32
      %add3A_282 = arith.constant 0 : i32
      %add3A_283 = arith.addi %add3A_282, %mul3A_281 : i32
      %jit3A_284 = arith.constant 8 : i32
      %eq3A_285 = arith.constant 0 : i32
      %eq3A_286 = arith.cmpi eq, %jit3A_284, %eq3A_285 : i32
      %jit3A_287 = arith.constant 1 : i32
      %select_n3A_288 = arith.select %eq3A_286, %jit3A_287, %jit3A_284 : i32
      %rem3A_289 = arith.remsi %add3A_255, %select_n3A_288 : i32
      %ne3A_290 = arith.constant 0 : i32
      %ne3A_291 = arith.cmpi ne, %rem3A_289, %ne3A_290 : i32
      %lt3A_292 = arith.constant 0 : i32
      %lt3A_293 = arith.cmpi slt, %rem3A_289, %lt3A_292 : i32
      %lt3A_294 = arith.constant 0 : i32
      %lt3A_295 = arith.cmpi slt, %select_n3A_288, %lt3A_294 : i32
      %ne3A_296 = arith.xori %lt3A_293, %lt3A_295 : i1
      %and3A_297 = arith.andi %ne3A_296, %ne3A_291 : i1
      %add3A_298 = arith.addi %rem3A_289, %select_n3A_288 : i32
      %select_n3A_299 = arith.select %and3A_297, %add3A_298, %rem3A_289 : i32
      %mul3A_300 = arith.constant 6272 : i32
      %mul3A_301 = arith.muli %select_n3A_299, %mul3A_300 : i32
      %parallel_loop3A_302 = arith.constant 0 : i32
      %parallel_loop3A_303 = arith.constant 392 : i32
      %parallel_loop3A_304 = arith.constant 1 : i32
      scf.for %parallel_loop3A_305 = %parallel_loop3A_302 to %parallel_loop3A_303 step %parallel_loop3A_304  : i32 {
        %parallel_loop3A_306 = arith.constant 16 : i32
        %parallel_loop3A_307 = arith.muli %parallel_loop3A_305, %parallel_loop3A_306 : i32
        %parallel_loop3A_308 = arith.addi %mul3A_301, %parallel_loop3A_307 : i32
        %parallel_loop3A_309 = arith.index_cast %parallel_loop3A_308 : i32 to index
        %parallel_loop3A_310 = tpu.vector_load %arg8[%parallel_loop3A_309] {strides = array<i32>} : memref<50176xi32, #tpu.memory_space<vmem>>, vector<16xi32>,
        %parallel_loop3A_311 = arith.index_cast %parallel_loop3A_307 : i32 to index
        %parallel_loop3A_312 = tpu.vector_load %arg10[%parallel_loop3A_311] {strides = array<i32>} : memref<6272xf32, #tpu.memory_space<vmem>>, vector<16xf32>,
        %parallel_loop3A_313 = vector.broadcast %add3A_283 : i32 to vector<16xi32>
        %parallel_loop3A_314 = arith.addi %parallel_loop3A_310, %parallel_loop3A_313 : vector<16xi32>
        %parallel_loop3A_315 = arith.constant 16 : i32
        %parallel_loop3A_316 = vector.broadcast %parallel_loop3A_315 : i32 to vector<16xi32>
        %parallel_loop3A_317 = arith.muli %parallel_loop3A_314, %parallel_loop3A_316 : vector<16xi32>
        %parallel_loop3A_318 = arith.addi %parallel_loop3A_317, %iota3A : vector<16xi32>
        tpu.vector_store_idx %arg11[%parallel_loop3A_318], %parallel_loop3A_312 {add = true} : memref<20480xf32, #tpu.memory_space<vmem>>[vector<16xi32>], vector<16xf32>,
      } {sc.loop_unroll_factor = 8 : i64, sc.parallel_access}
    }
    %scan3A_28 = arith.constant 128 : i32
    %mul3A_29 = arith.constant 50176 : i32
    %mul3A_30 = arith.muli %add3A, %mul3A_29 : i32
    "tpu.region"() ({
      %run_scoped3A = tpu.sem_alloc : memref<!tpu.dma_semaphore, #tpu.memory_space<semaphore_mem>>
      %dma_start3A_54 = tpu.memref_slice %arg5[%mul3A_30] : memref<1605632xi32, #tpu.memory_space<hbm>> -> memref<50176xi32, #tpu.memory_space<hbm>>
      %dma_start3A_55 = tpu.memref_slice %arg5[%mul3A_30] : memref<1605632xi32, #tpu.memory_space<hbm>> -> memref<50176xi32, #tpu.memory_space<hbm>>
      tpu.enqueue_dma source(%dma_start3A_55 : memref<50176xi32, #tpu.memory_space<hbm>>) target(%arg8 : memref<50176xi32, #tpu.memory_space<vmem>>) target_semaphore(%run_scoped3A : memref<!tpu.dma_semaphore, #tpu.memory_space<semaphore_mem>>)
      %dma_wait3A = tpu.memref_slice %arg5[%mul3A_30] : memref<1605632xi32, #tpu.memory_space<hbm>> -> memref<50176xi32, #tpu.memory_space<hbm>>
      %dma_wait3A_56 = tpu.memref_slice %arg5[%mul3A_30] : memref<1605632xi32, #tpu.memory_space<hbm>> -> memref<50176xi32, #tpu.memory_space<hbm>>
      tpu.wait_dma2 semaphore(%run_scoped3A : memref<!tpu.dma_semaphore, #tpu.memory_space<semaphore_mem>>) src(%dma_wait3A_56 : memref<50176xi32, #tpu.memory_space<hbm>>) dst(%arg8 : memref<50176xi32, #tpu.memory_space<vmem>>)
      tpu.yield
    }) : () -> ()
    %mul3A_31 = arith.constant 32 : i32
    %mul3A_32 = arith.muli %add3A, %mul3A_31 : i32
    %add3A_33 = arith.constant 0 : i32
    %add3A_34 = arith.addi %mul3A_32, %add3A_33 : i32
    %mul3A_35 = arith.constant 50176 : i32
    %mul3A_36 = arith.muli %add3A_34, %mul3A_35 : i32
    %add3A_37 = arith.constant 0 : i32
    %add3A_38 = arith.addi %mul3A_36, %add3A_37 : i32
    %dma_start3A_39 = tpu.memref_slice %arg3[%add3A_38] : memref<51380224xf32, #tpu.memory_space<hbm>> -> memref<6272xf32, #tpu.memory_space<hbm>>
    %dma_start3A_40 = tpu.memref_slice %arg3[%add3A_38] : memref<51380224xf32, #tpu.memory_space<hbm>> -> memref<6272xf32, #tpu.memory_space<hbm>>
    tpu.enqueue_dma source(%dma_start3A_40 : memref<6272xf32, #tpu.memory_space<hbm>>) target(%arg9 : memref<6272xf32, #tpu.memory_space<vmem>>) target_semaphore(%arg13 : memref<!tpu.dma_semaphore, #tpu.memory_space<semaphore_mem>>)
    %add3A_41 = arith.constant 32 : i32
    %add3A_42 = arith.addi %add3A_41, %add3A : i32
    %mul3A_43 = arith.constant 20 : i32
    %mul3A_44 = arith.muli %add3A_42, %mul3A_43 : i32
    %parallel_loop3A_45 = arith.constant 0 : i32
    %parallel_loop3A_46 = arith.constant 3136 : i32
    %parallel_loop3A_47 = arith.constant 1 : i32
    scf.for %parallel_loop3A_54 = %parallel_loop3A_45 to %parallel_loop3A_46 step %parallel_loop3A_47  : i32 {
      %parallel_loop3A_55 = arith.constant 16 : i32
      %parallel_loop3A_56 = arith.muli %parallel_loop3A_54, %parallel_loop3A_55 : i32
      %parallel_loop3A_57 = arith.index_cast %parallel_loop3A_56 : i32 to index
      %parallel_loop3A_58 = tpu.vector_load %arg8[%parallel_loop3A_57] {strides = array<i32>} : memref<50176xi32, #tpu.memory_space<vmem>>, vector<16xi32>,
      %parallel_loop3A_59 = vector.broadcast %mul3A_44 : i32 to vector<16xi32>
      %parallel_loop3A_60 = arith.addi %parallel_loop3A_58, %parallel_loop3A_59 : vector<16xi32>
      %parallel_loop3A_61 = arith.constant 16 : i32
      %parallel_loop3A_62 = vector.broadcast %parallel_loop3A_61 : i32 to vector<16xi32>
      %parallel_loop3A_63 = arith.muli %parallel_loop3A_60, %parallel_loop3A_62 : vector<16xi32>
      %parallel_loop3A_64 = arith.addi %parallel_loop3A_63, %iota3A : vector<16xi32>
      tpu.vector_store_idx %arg12[%parallel_loop3A_64], %broadcast_in_dim3A_3 {add = true} : memref<20480xf32, #tpu.memory_space<vmem>>[vector<16xi32>], vector<16xf32>,
    } {sc.loop_unroll_factor = 8 : i64, sc.parallel_access}
    %scan3A_48 = arith.constant 0 : i32
    %scan3A_49 = arith.constant 0 : i32
    %scan3A_50 = arith.constant 128 : i32
    %scan3A_51 = arith.addi %scan3A_49, %scan3A_50 : i32
    %scan3A_52 = arith.constant 1 : i32
    scf.for %scan3A_54 = %scan3A_49 to %scan3A_51 step %scan3A_52  : i32 {
      %mul3A_55 = arith.constant 2 : i32
      %mul3A_56 = arith.muli %mul3A_55, %scan3A_54 : i32
      %add3A_57 = arith.constant 1 : i32
      %add3A_58 = arith.addi %mul3A_56, %add3A_57 : i32
      %jit3A = arith.constant 8 : i32
      %div3A = arith.divsi %add3A_58, %jit3A : i32
      %sign3A = arith.constant 0 : i32
      %sign3A_59 = arith.cmpi sgt, %add3A_58, %sign3A : i32
      %sign3A_60 = arith.extui %sign3A_59 : i1 to i32
      %sign3A_61 = arith.constant 0 : i32
      %sign3A_62 = arith.cmpi slt, %add3A_58, %sign3A_61 : i32
      %sign3A_63 = arith.extui %sign3A_62 : i1 to i32
      %sign3A_64 = arith.subi %sign3A_60, %sign3A_63 : i32
      %sign3A_65 = arith.constant 0 : i32
      %sign3A_66 = arith.cmpi sgt, %jit3A, %sign3A_65 : i32
      %sign3A_67 = arith.extui %sign3A_66 : i1 to i32
      %sign3A_68 = arith.constant 0 : i32
      %sign3A_69 = arith.cmpi slt, %jit3A, %sign3A_68 : i32
      %sign3A_70 = arith.extui %sign3A_69 : i1 to i32
      %sign3A_71 = arith.subi %sign3A_67, %sign3A_70 : i32
      %ne3A = arith.cmpi ne, %sign3A_64, %sign3A_71 : i32
      %rem3A = arith.remsi %add3A_58, %jit3A : i32
      %ne3A_72 = arith.constant 0 : i32
      %ne3A_73 = arith.cmpi ne, %rem3A, %ne3A_72 : i32
      %and3A = arith.andi %ne3A, %ne3A_73 : i1
      %sub3A = arith.constant 1 : i32
      %sub3A_74 = arith.subi %div3A, %sub3A : i32
      %select_n3A = arith.select %and3A, %sub3A_74, %div3A : i32
      %jit3A_75 = arith.constant 8 : i32
      %eq3A = arith.constant 0 : i32
      %eq3A_76 = arith.cmpi eq, %jit3A_75, %eq3A : i32
      %jit3A_77 = arith.constant 1 : i32
      %select_n3A_78 = arith.select %eq3A_76, %jit3A_77, %jit3A_75 : i32
      %rem3A_79 = arith.remsi %add3A_58, %select_n3A_78 : i32
      %ne3A_80 = arith.constant 0 : i32
      %ne3A_81 = arith.cmpi ne, %rem3A_79, %ne3A_80 : i32
      %lt3A = arith.constant 0 : i32
      %lt3A_82 = arith.cmpi slt, %rem3A_79, %lt3A : i32
      %lt3A_83 = arith.constant 0 : i32
      %lt3A_84 = arith.cmpi slt, %select_n3A_78, %lt3A_83 : i32
      %ne3A_85 = arith.xori %lt3A_82, %lt3A_84 : i1
      %and3A_86 = arith.andi %ne3A_85, %ne3A_81 : i1
      %add3A_87 = arith.addi %rem3A_79, %select_n3A_78 : i32
      %select_n3A_88 = arith.select %and3A_86, %add3A_87, %rem3A_79 : i32
      %mul3A_89 = arith.constant 6272 : i32
      %mul3A_90 = arith.muli %select_n3A_88, %mul3A_89 : i32
      %mul3A_91 = arith.constant 32 : i32
      %mul3A_92 = arith.muli %add3A, %mul3A_91 : i32
      %add3A_93 = arith.addi %mul3A_92, %select_n3A : i32
      %mul3A_94 = arith.constant 50176 : i32
      %mul3A_95 = arith.muli %add3A_93, %mul3A_94 : i32
      %add3A_96 = arith.addi %mul3A_95, %mul3A_90 : i32
      %dma_start3A_97 = tpu.memref_slice %arg3[%add3A_96] : memref<51380224xf32, #tpu.memory_space<hbm>> -> memref<6272xf32, #tpu.memory_space<hbm>>
      %dma_start3A_98 = tpu.memref_slice %arg3[%add3A_96] : memref<51380224xf32, #tpu.memory_space<hbm>> -> memref<6272xf32, #tpu.memory_space<hbm>>
      tpu.enqueue_dma source(%dma_start3A_98 : memref<6272xf32, #tpu.memory_space<hbm>>) target(%arg10 : memref<6272xf32, #tpu.memory_space<vmem>>) target_semaphore(%arg14 : memref<!tpu.dma_semaphore, #tpu.memory_space<semaphore_mem>>)
      %jit3A_99 = arith.constant 8 : i32
      %div3A_100 = arith.divsi %mul3A_56, %jit3A_99 : i32
      %sign3A_101 = arith.constant 0 : i32
      %sign3A_102 = arith.cmpi sgt, %mul3A_56, %sign3A_101 : i32
      %sign3A_103 = arith.extui %sign3A_102 : i1 to i32
      %sign3A_104 = arith.constant 0 : i32
      %sign3A_105 = arith.cmpi slt, %mul3A_56, %sign3A_104 : i32
      %sign3A_106 = arith.extui %sign3A_105 : i1 to i32
      %sign3A_107 = arith.subi %sign3A_103, %sign3A_106 : i32
      %sign3A_108 = arith.constant 0 : i32
      %sign3A_109 = arith.cmpi sgt, %jit3A_99, %sign3A_108 : i32
      %sign3A_110 = arith.extui %sign3A_109 : i1 to i32
      %sign3A_111 = arith.constant 0 : i32
      %sign3A_112 = arith.cmpi slt, %jit3A_99, %sign3A_111 : i32
      %sign3A_113 = arith.extui %sign3A_112 : i1 to i32
      %sign3A_114 = arith.subi %sign3A_110, %sign3A_113 : i32
      %ne3A_115 = arith.cmpi ne, %sign3A_107, %sign3A_114 : i32
      %rem3A_116 = arith.remsi %mul3A_56, %jit3A_99 : i32
      %ne3A_117 = arith.constant 0 : i32
      %ne3A_118 = arith.cmpi ne, %rem3A_116, %ne3A_117 : i32
      %and3A_119 = arith.andi %ne3A_115, %ne3A_118 : i1
      %sub3A_120 = arith.constant 1 : i32
      %sub3A_121 = arith.subi %div3A_100, %sub3A_120 : i32
      %select_n3A_122 = arith.select %and3A_119, %sub3A_121, %div3A_100 : i32
      %jit3A_123 = arith.constant 8 : i32
      %eq3A_124 = arith.constant 0 : i32
      %eq3A_125 = arith.cmpi eq, %jit3A_123, %eq3A_124 : i32
      %jit3A_126 = arith.constant 1 : i32
      %select_n3A_127 = arith.select %eq3A_125, %jit3A_126, %jit3A_123 : i32
      %rem3A_128 = arith.remsi %mul3A_56, %select_n3A_127 : i32
      %ne3A_129 = arith.constant 0 : i32
      %ne3A_130 = arith.cmpi ne, %rem3A_128, %ne3A_129 : i32
      %lt3A_131 = arith.constant 0 : i32
      %lt3A_132 = arith.cmpi slt, %rem3A_128, %lt3A_131 : i32
      %lt3A_133 = arith.constant 0 : i32
      %lt3A_134 = arith.cmpi slt, %select_n3A_127, %lt3A_133 : i32
      %ne3A_135 = arith.xori %lt3A_132, %lt3A_134 : i1
      %and3A_136 = arith.andi %ne3A_135, %ne3A_130 : i1
      %add3A_137 = arith.addi %rem3A_128, %select_n3A_127 : i32
      %select_n3A_138 = arith.select %and3A_136, %add3A_137, %rem3A_128 : i32
      %mul3A_139 = arith.constant 6272 : i32
      %mul3A_140 = arith.muli %select_n3A_138, %mul3A_139 : i32
      %mul3A_141 = arith.constant 32 : i32
      %mul3A_142 = arith.muli %add3A, %mul3A_141 : i32
      %add3A_143 = arith.addi %mul3A_142, %select_n3A_122 : i32
      %mul3A_144 = arith.constant 50176 : i32
      %mul3A_145 = arith.muli %add3A_143, %mul3A_144 : i32
      %add3A_146 = arith.addi %mul3A_145, %mul3A_140 : i32
      %dma_wait3A = tpu.memref_slice %arg3[%add3A_146] : memref<51380224xf32, #tpu.memory_space<hbm>> -> memref<6272xf32, #tpu.memory_space<hbm>>
      %dma_wait3A_147 = tpu.memref_slice %arg3[%add3A_146] : memref<51380224xf32, #tpu.memory_space<hbm>> -> memref<6272xf32, #tpu.memory_space<hbm>>
      tpu.wait_dma2 semaphore(%arg13 : memref<!tpu.dma_semaphore, #tpu.memory_space<semaphore_mem>>) src(%dma_wait3A_147 : memref<6272xf32, #tpu.memory_space<hbm>>) dst(%arg9 : memref<6272xf32, #tpu.memory_space<vmem>>)
      %jit3A_148 = arith.constant 8 : i32
      %div3A_149 = arith.divsi %mul3A_56, %jit3A_148 : i32
      %sign3A_150 = arith.constant 0 : i32
      %sign3A_151 = arith.cmpi sgt, %mul3A_56, %sign3A_150 : i32
      %sign3A_152 = arith.extui %sign3A_151 : i1 to i32
      %sign3A_153 = arith.constant 0 : i32
      %sign3A_154 = arith.cmpi slt, %mul3A_56, %sign3A_153 : i32
      %sign3A_155 = arith.extui %sign3A_154 : i1 to i32
      %sign3A_156 = arith.subi %sign3A_152, %sign3A_155 : i32
      %sign3A_157 = arith.constant 0 : i32
      %sign3A_158 = arith.cmpi sgt, %jit3A_148, %sign3A_157 : i32
      %sign3A_159 = arith.extui %sign3A_158 : i1 to i32
      %sign3A_160 = arith.constant 0 : i32
      %sign3A_161 = arith.cmpi slt, %jit3A_148, %sign3A_160 : i32
      %sign3A_162 = arith.extui %sign3A_161 : i1 to i32
      %sign3A_163 = arith.subi %sign3A_159, %sign3A_162 : i32
      %ne3A_164 = arith.cmpi ne, %sign3A_156, %sign3A_163 : i32
      %rem3A_165 = arith.remsi %mul3A_56, %jit3A_148 : i32
      %ne3A_166 = arith.constant 0 : i32
      %ne3A_167 = arith.cmpi ne, %rem3A_165, %ne3A_166 : i32
      %and3A_168 = arith.andi %ne3A_164, %ne3A_167 : i1
      %sub3A_169 = arith.constant 1 : i32
      %sub3A_170 = arith.subi %div3A_149, %sub3A_169 : i32
      %select_n3A_171 = arith.select %and3A_168, %sub3A_170, %div3A_149 : i32
      %mul3A_172 = arith.constant 20 : i32
      %mul3A_173 = arith.muli %select_n3A_171, %mul3A_172 : i32
      %add3A_174 = arith.constant 640 : i32
      %add3A_175 = arith.addi %add3A_174, %mul3A_173 : i32
      %jit3A_176 = arith.constant 8 : i32
      %eq3A_177 = arith.constant 0 : i32
      %eq3A_178 = arith.cmpi eq, %jit3A_176, %eq3A_177 : i32
      %jit3A_179 = arith.constant 1 : i32
      %select_n3A_180 = arith.select %eq3A_178, %jit3A_179, %jit3A_176 : i32
      %rem3A_181 = arith.remsi %mul3A_56, %select_n3A_180 : i32
      %ne3A_182 = arith.constant 0 : i32
      %ne3A_183 = arith.cmpi ne, %rem3A_181, %ne3A_182 : i32
      %lt3A_184 = arith.constant 0 : i32
      %lt3A_185 = arith.cmpi slt, %rem3A_181, %lt3A_184 : i32
      %lt3A_186 = arith.constant 0 : i32
      %lt3A_187 = arith.cmpi slt, %select_n3A_180, %lt3A_186 : i32
      %ne3A_188 = arith.xori %lt3A_185, %lt3A_187 : i1
      %and3A_189 = arith.andi %ne3A_188, %ne3A_183 : i1
      %add3A_190 = arith.addi %rem3A_181, %select_n3A_180 : i32
      %select_n3A_191 = arith.select %and3A_189, %add3A_190, %rem3A_181 : i32
      %mul3A_192 = arith.constant 6272 : i32
      %mul3A_193 = arith.muli %select_n3A_191, %mul3A_192 : i32
      %parallel_loop3A_194 = arith.constant 0 : i32
      %parallel_loop3A_195 = arith.constant 392 : i32
      %parallel_loop3A_196 = arith.constant 1 : i32
      scf.for %parallel_loop3A_305 = %parallel_loop3A_194 to %parallel_loop3A_195 step %parallel_loop3A_196  : i32 {
        %parallel_loop3A_306 = arith.constant 16 : i32
        %parallel_loop3A_307 = arith.muli %parallel_loop3A_305, %parallel_loop3A_306 : i32
        %parallel_loop3A_308 = arith.addi %mul3A_193, %parallel_loop3A_307 : i32
        %parallel_loop3A_309 = arith.index_cast %parallel_loop3A_308 : i32 to index
        %parallel_loop3A_310 = tpu.vector_load %arg8[%parallel_loop3A_309] {strides = array<i32>} : memref<50176xi32, #tpu.memory_space<vmem>>, vector<16xi32>,
        %parallel_loop3A_311 = arith.index_cast %parallel_loop3A_307 : i32 to index
        %parallel_loop3A_312 = tpu.vector_load %arg9[%parallel_loop3A_311] {strides = array<i32>} : memref<6272xf32, #tpu.memory_space<vmem>>, vector<16xf32>,
        %parallel_loop3A_313 = vector.broadcast %add3A_175 : i32 to vector<16xi32>
        %parallel_loop3A_314 = arith.addi %parallel_loop3A_310, %parallel_loop3A_313 : vector<16xi32>
        %parallel_loop3A_315 = arith.constant 16 : i32
        %parallel_loop3A_316 = vector.broadcast %parallel_loop3A_315 : i32 to vector<16xi32>
        %parallel_loop3A_317 = arith.muli %parallel_loop3A_314, %parallel_loop3A_316 : vector<16xi32>
        %parallel_loop3A_318 = arith.addi %parallel_loop3A_317, %iota3A : vector<16xi32>
        tpu.vector_store_idx %arg11[%parallel_loop3A_318], %parallel_loop3A_312 {add = true} : memref<20480xf32, #tpu.memory_space<vmem>>[vector<16xi32>], vector<16xf32>,
      } {sc.loop_unroll_factor = 8 : i64, sc.parallel_access}
      %add3A_197 = arith.constant 2 : i32
      %add3A_198 = arith.addi %mul3A_56, %add3A_197 : i32
      %lt3A_199 = arith.constant 256 : i32
      %lt3A_200 = arith.cmpi slt, %add3A_198, %lt3A_199 : i32
      %convert_element_type3A = arith.extui %lt3A_200 : i1 to i32
      %cond3A = arith.constant 0 : i32
      %cond3A_201 = arith.cmpi ne, %convert_element_type3A, %cond3A : i32
      scf.if %cond3A_201 {
        %add3A_305 = arith.constant 2 : i32
        %add3A_306 = arith.addi %mul3A_56, %add3A_305 : i32
        %jit3A_307 = arith.constant 8 : i32
        %div3A_308 = arith.divsi %add3A_306, %jit3A_307 : i32
        %sign3A_309 = arith.constant 0 : i32
        %sign3A_310 = arith.cmpi sgt, %add3A_306, %sign3A_309 : i32
        %sign3A_311 = arith.extui %sign3A_310 : i1 to i32
        %sign3A_312 = arith.constant 0 : i32
        %sign3A_313 = arith.cmpi slt, %add3A_306, %sign3A_312 : i32
        %sign3A_314 = arith.extui %sign3A_313 : i1 to i32
        %sign3A_315 = arith.subi %sign3A_311, %sign3A_314 : i32
        %sign3A_316 = arith.constant 0 : i32
        %sign3A_317 = arith.cmpi sgt, %jit3A_307, %sign3A_316 : i32
        %sign3A_318 = arith.extui %sign3A_317 : i1 to i32
        %sign3A_319 = arith.constant 0 : i32
        %sign3A_320 = arith.cmpi slt, %jit3A_307, %sign3A_319 : i32
        %sign3A_321 = arith.extui %sign3A_320 : i1 to i32
        %sign3A_322 = arith.subi %sign3A_318, %sign3A_321 : i32
        %ne3A_323 = arith.cmpi ne, %sign3A_315, %sign3A_322 : i32
        %rem3A_324 = arith.remsi %add3A_306, %jit3A_307 : i32
        %ne3A_325 = arith.constant 0 : i32
        %ne3A_326 = arith.cmpi ne, %rem3A_324, %ne3A_325 : i32
        %and3A_327 = arith.andi %ne3A_323, %ne3A_326 : i1
        %sub3A_328 = arith.constant 1 : i32
        %sub3A_329 = arith.subi %div3A_308, %sub3A_328 : i32
        %select_n3A_330 = arith.select %and3A_327, %sub3A_329, %div3A_308 : i32
        %jit3A_331 = arith.constant 8 : i32
        %eq3A_332 = arith.constant 0 : i32
        %eq3A_333 = arith.cmpi eq, %jit3A_331, %eq3A_332 : i32
        %jit3A_334 = arith.constant 1 : i32
        %select_n3A_335 = arith.select %eq3A_333, %jit3A_334, %jit3A_331 : i32
        %rem3A_336 = arith.remsi %add3A_306, %select_n3A_335 : i32
        %ne3A_337 = arith.constant 0 : i32
        %ne3A_338 = arith.cmpi ne, %rem3A_336, %ne3A_337 : i32
        %lt3A_339 = arith.constant 0 : i32
        %lt3A_340 = arith.cmpi slt, %rem3A_336, %lt3A_339 : i32
        %lt3A_341 = arith.constant 0 : i32
        %lt3A_342 = arith.cmpi slt, %select_n3A_335, %lt3A_341 : i32
        %ne3A_343 = arith.xori %lt3A_340, %lt3A_342 : i1
        %and3A_344 = arith.andi %ne3A_343, %ne3A_338 : i1
        %add3A_345 = arith.addi %rem3A_336, %select_n3A_335 : i32
        %select_n3A_346 = arith.select %and3A_344, %add3A_345, %rem3A_336 : i32
        %mul3A_347 = arith.constant 6272 : i32
        %mul3A_348 = arith.muli %select_n3A_346, %mul3A_347 : i32
        %mul3A_349 = arith.constant 32 : i32
        %mul3A_350 = arith.muli %add3A, %mul3A_349 : i32
        %add3A_351 = arith.addi %mul3A_350, %select_n3A_330 : i32
        %mul3A_352 = arith.constant 50176 : i32
        %mul3A_353 = arith.muli %add3A_351, %mul3A_352 : i32
        %add3A_354 = arith.addi %mul3A_353, %mul3A_348 : i32
        %dma_start3A_355 = tpu.memref_slice %arg3[%add3A_354] : memref<51380224xf32, #tpu.memory_space<hbm>> -> memref<6272xf32, #tpu.memory_space<hbm>>
        %dma_start3A_356 = tpu.memref_slice %arg3[%add3A_354] : memref<51380224xf32, #tpu.memory_space<hbm>> -> memref<6272xf32, #tpu.memory_space<hbm>>
        tpu.enqueue_dma source(%dma_start3A_356 : memref<6272xf32, #tpu.memory_space<hbm>>) target(%arg9 : memref<6272xf32, #tpu.memory_space<vmem>>) target_semaphore(%arg13 : memref<!tpu.dma_semaphore, #tpu.memory_space<semaphore_mem>>)
      } else {
      }
      %add3A_202 = arith.constant 1 : i32
      %add3A_203 = arith.addi %mul3A_56, %add3A_202 : i32
      %jit3A_204 = arith.constant 8 : i32
      %div3A_205 = arith.divsi %add3A_203, %jit3A_204 : i32
      %sign3A_206 = arith.constant 0 : i32
      %sign3A_207 = arith.cmpi sgt, %add3A_203, %sign3A_206 : i32
      %sign3A_208 = arith.extui %sign3A_207 : i1 to i32
      %sign3A_209 = arith.constant 0 : i32
      %sign3A_210 = arith.cmpi slt, %add3A_203, %sign3A_209 : i32
      %sign3A_211 = arith.extui %sign3A_210 : i1 to i32
      %sign3A_212 = arith.subi %sign3A_208, %sign3A_211 : i32
      %sign3A_213 = arith.constant 0 : i32
      %sign3A_214 = arith.cmpi sgt, %jit3A_204, %sign3A_213 : i32
      %sign3A_215 = arith.extui %sign3A_214 : i1 to i32
      %sign3A_216 = arith.constant 0 : i32
      %sign3A_217 = arith.cmpi slt, %jit3A_204, %sign3A_216 : i32
      %sign3A_218 = arith.extui %sign3A_217 : i1 to i32
      %sign3A_219 = arith.subi %sign3A_215, %sign3A_218 : i32
      %ne3A_220 = arith.cmpi ne, %sign3A_212, %sign3A_219 : i32
      %rem3A_221 = arith.remsi %add3A_203, %jit3A_204 : i32
      %ne3A_222 = arith.constant 0 : i32
      %ne3A_223 = arith.cmpi ne, %rem3A_221, %ne3A_222 : i32
      %and3A_224 = arith.andi %ne3A_220, %ne3A_223 : i1
      %sub3A_225 = arith.constant 1 : i32
      %sub3A_226 = arith.subi %div3A_205, %sub3A_225 : i32
      %select_n3A_227 = arith.select %and3A_224, %sub3A_226, %div3A_205 : i32
      %jit3A_228 = arith.constant 8 : i32
      %eq3A_229 = arith.constant 0 : i32
      %eq3A_230 = arith.cmpi eq, %jit3A_228, %eq3A_229 : i32
      %jit3A_231 = arith.constant 1 : i32
      %select_n3A_232 = arith.select %eq3A_230, %jit3A_231, %jit3A_228 : i32
      %rem3A_233 = arith.remsi %add3A_203, %select_n3A_232 : i32
      %ne3A_234 = arith.constant 0 : i32
      %ne3A_235 = arith.cmpi ne, %rem3A_233, %ne3A_234 : i32
      %lt3A_236 = arith.constant 0 : i32
      %lt3A_237 = arith.cmpi slt, %rem3A_233, %lt3A_236 : i32
      %lt3A_238 = arith.constant 0 : i32
      %lt3A_239 = arith.cmpi slt, %select_n3A_232, %lt3A_238 : i32
      %ne3A_240 = arith.xori %lt3A_237, %lt3A_239 : i1
      %and3A_241 = arith.andi %ne3A_240, %ne3A_235 : i1
      %add3A_242 = arith.addi %rem3A_233, %select_n3A_232 : i32
      %select_n3A_243 = arith.select %and3A_241, %add3A_242, %rem3A_233 : i32
      %mul3A_244 = arith.constant 6272 : i32
      %mul3A_245 = arith.muli %select_n3A_243, %mul3A_244 : i32
      %mul3A_246 = arith.constant 32 : i32
      %mul3A_247 = arith.muli %add3A, %mul3A_246 : i32
      %add3A_248 = arith.addi %mul3A_247, %select_n3A_227 : i32
      %mul3A_249 = arith.constant 50176 : i32
      %mul3A_250 = arith.muli %add3A_248, %mul3A_249 : i32
      %add3A_251 = arith.addi %mul3A_250, %mul3A_245 : i32
      %dma_wait3A_252 = tpu.memref_slice %arg3[%add3A_251] : memref<51380224xf32, #tpu.memory_space<hbm>> -> memref<6272xf32, #tpu.memory_space<hbm>>
      %dma_wait3A_253 = tpu.memref_slice %arg3[%add3A_251] : memref<51380224xf32, #tpu.memory_space<hbm>> -> memref<6272xf32, #tpu.memory_space<hbm>>
      tpu.wait_dma2 semaphore(%arg14 : memref<!tpu.dma_semaphore, #tpu.memory_space<semaphore_mem>>) src(%dma_wait3A_253 : memref<6272xf32, #tpu.memory_space<hbm>>) dst(%arg10 : memref<6272xf32, #tpu.memory_space<vmem>>)
      %add3A_254 = arith.constant 1 : i32
      %add3A_255 = arith.addi %mul3A_56, %add3A_254 : i32
      %jit3A_256 = arith.constant 8 : i32
      %div3A_257 = arith.divsi %add3A_255, %jit3A_256 : i32
      %sign3A_258 = arith.constant 0 : i32
      %sign3A_259 = arith.cmpi sgt, %add3A_255, %sign3A_258 : i32
      %sign3A_260 = arith.extui %sign3A_259 : i1 to i32
      %sign3A_261 = arith.constant 0 : i32
      %sign3A_262 = arith.cmpi slt, %add3A_255, %sign3A_261 : i32
      %sign3A_263 = arith.extui %sign3A_262 : i1 to i32
      %sign3A_264 = arith.subi %sign3A_260, %sign3A_263 : i32
      %sign3A_265 = arith.constant 0 : i32
      %sign3A_266 = arith.cmpi sgt, %jit3A_256, %sign3A_265 : i32
      %sign3A_267 = arith.extui %sign3A_266 : i1 to i32
      %sign3A_268 = arith.constant 0 : i32
      %sign3A_269 = arith.cmpi slt, %jit3A_256, %sign3A_268 : i32
      %sign3A_270 = arith.extui %sign3A_269 : i1 to i32
      %sign3A_271 = arith.subi %sign3A_267, %sign3A_270 : i32
      %ne3A_272 = arith.cmpi ne, %sign3A_264, %sign3A_271 : i32
      %rem3A_273 = arith.remsi %add3A_255, %jit3A_256 : i32
      %ne3A_274 = arith.constant 0 : i32
      %ne3A_275 = arith.cmpi ne, %rem3A_273, %ne3A_274 : i32
      %and3A_276 = arith.andi %ne3A_272, %ne3A_275 : i1
      %sub3A_277 = arith.constant 1 : i32
      %sub3A_278 = arith.subi %div3A_257, %sub3A_277 : i32
      %select_n3A_279 = arith.select %and3A_276, %sub3A_278, %div3A_257 : i32
      %mul3A_280 = arith.constant 20 : i32
      %mul3A_281 = arith.muli %select_n3A_279, %mul3A_280 : i32
      %add3A_282 = arith.constant 640 : i32
      %add3A_283 = arith.addi %add3A_282, %mul3A_281 : i32
      %jit3A_284 = arith.constant 8 : i32
      %eq3A_285 = arith.constant 0 : i32
      %eq3A_286 = arith.cmpi eq, %jit3A_284, %eq3A_285 : i32
      %jit3A_287 = arith.constant 1 : i32
      %select_n3A_288 = arith.select %eq3A_286, %jit3A_287, %jit3A_284 : i32
      %rem3A_289 = arith.remsi %add3A_255, %select_n3A_288 : i32
      %ne3A_290 = arith.constant 0 : i32
      %ne3A_291 = arith.cmpi ne, %rem3A_289, %ne3A_290 : i32
      %lt3A_292 = arith.constant 0 : i32
      %lt3A_293 = arith.cmpi slt, %rem3A_289, %lt3A_292 : i32
      %lt3A_294 = arith.constant 0 : i32
      %lt3A_295 = arith.cmpi slt, %select_n3A_288, %lt3A_294 : i32
      %ne3A_296 = arith.xori %lt3A_293, %lt3A_295 : i1
      %and3A_297 = arith.andi %ne3A_296, %ne3A_291 : i1
      %add3A_298 = arith.addi %rem3A_289, %select_n3A_288 : i32
      %select_n3A_299 = arith.select %and3A_297, %add3A_298, %rem3A_289 : i32
      %mul3A_300 = arith.constant 6272 : i32
      %mul3A_301 = arith.muli %select_n3A_299, %mul3A_300 : i32
      %parallel_loop3A_302 = arith.constant 0 : i32
      %parallel_loop3A_303 = arith.constant 392 : i32
      %parallel_loop3A_304 = arith.constant 1 : i32
      scf.for %parallel_loop3A_305 = %parallel_loop3A_302 to %parallel_loop3A_303 step %parallel_loop3A_304  : i32 {
        %parallel_loop3A_306 = arith.constant 16 : i32
        %parallel_loop3A_307 = arith.muli %parallel_loop3A_305, %parallel_loop3A_306 : i32
        %parallel_loop3A_308 = arith.addi %mul3A_301, %parallel_loop3A_307 : i32
        %parallel_loop3A_309 = arith.index_cast %parallel_loop3A_308 : i32 to index
        %parallel_loop3A_310 = tpu.vector_load %arg8[%parallel_loop3A_309] {strides = array<i32>} : memref<50176xi32, #tpu.memory_space<vmem>>, vector<16xi32>,
        %parallel_loop3A_311 = arith.index_cast %parallel_loop3A_307 : i32 to index
        %parallel_loop3A_312 = tpu.vector_load %arg10[%parallel_loop3A_311] {strides = array<i32>} : memref<6272xf32, #tpu.memory_space<vmem>>, vector<16xf32>,
        %parallel_loop3A_313 = vector.broadcast %add3A_283 : i32 to vector<16xi32>
        %parallel_loop3A_314 = arith.addi %parallel_loop3A_310, %parallel_loop3A_313 : vector<16xi32>
        %parallel_loop3A_315 = arith.constant 16 : i32
        %parallel_loop3A_316 = vector.broadcast %parallel_loop3A_315 : i32 to vector<16xi32>
        %parallel_loop3A_317 = arith.muli %parallel_loop3A_314, %parallel_loop3A_316 : vector<16xi32>
        %parallel_loop3A_318 = arith.addi %parallel_loop3A_317, %iota3A : vector<16xi32>
        tpu.vector_store_idx %arg11[%parallel_loop3A_318], %parallel_loop3A_312 {add = true} : memref<20480xf32, #tpu.memory_space<vmem>>[vector<16xi32>], vector<16xf32>,
      } {sc.loop_unroll_factor = 8 : i64, sc.parallel_access}
    }
    %scan3A_53 = arith.constant 128 : i32
    "tpu.region"() ({
      %run_scoped3A = tpu.sem_alloc : memref<!tpu.dma_semaphore, #tpu.memory_space<semaphore_mem>>
      %dma_start3A_54 = arith.constant 0 : i32
      %dma_start3A_55 = tpu.memref_slice %arg6[%add3A, %dma_start3A_54] : memref<32x20480xf32, #tpu.memory_space<hbm>> -> memref<1x20480xf32, #tpu.memory_space<hbm>>
      %dma_start3A_56 = tpu.memref_squeeze %dma_start3A_55 : memref<1x20480xf32, #tpu.memory_space<hbm>> -> memref<20480xf32, #tpu.memory_space<hbm>>
      %dma_start3A_57 = arith.constant 0 : i32
      %dma_start3A_58 = tpu.memref_slice %arg6[%add3A, %dma_start3A_57] : memref<32x20480xf32, #tpu.memory_space<hbm>> -> memref<1x20480xf32, #tpu.memory_space<hbm>>
      %dma_start3A_59 = tpu.memref_squeeze %dma_start3A_58 : memref<1x20480xf32, #tpu.memory_space<hbm>> -> memref<20480xf32, #tpu.memory_space<hbm>>
      tpu.enqueue_dma source(%arg11 : memref<20480xf32, #tpu.memory_space<vmem>>) target(%dma_start3A_59 : memref<20480xf32, #tpu.memory_space<hbm>>) target_semaphore(%run_scoped3A : memref<!tpu.dma_semaphore, #tpu.memory_space<semaphore_mem>>)
      %dma_wait3A = arith.constant 0 : i32
      %dma_wait3A_60 = tpu.memref_slice %arg6[%add3A, %dma_wait3A] : memref<32x20480xf32, #tpu.memory_space<hbm>> -> memref<1x20480xf32, #tpu.memory_space<hbm>>
      %dma_wait3A_61 = tpu.memref_squeeze %dma_wait3A_60 : memref<1x20480xf32, #tpu.memory_space<hbm>> -> memref<20480xf32, #tpu.memory_space<hbm>>
      %dma_wait3A_62 = arith.constant 0 : i32
      %dma_wait3A_63 = tpu.memref_slice %arg6[%add3A, %dma_wait3A_62] : memref<32x20480xf32, #tpu.memory_space<hbm>> -> memref<1x20480xf32, #tpu.memory_space<hbm>>
      %dma_wait3A_64 = tpu.memref_squeeze %dma_wait3A_63 : memref<1x20480xf32, #tpu.memory_space<hbm>> -> memref<20480xf32, #tpu.memory_space<hbm>>
      tpu.wait_dma2 semaphore(%run_scoped3A : memref<!tpu.dma_semaphore, #tpu.memory_space<semaphore_mem>>) src(%arg11 : memref<20480xf32, #tpu.memory_space<vmem>>) dst(%dma_wait3A_64 : memref<20480xf32, #tpu.memory_space<hbm>>)
      tpu.yield
    }) : () -> ()
    "tpu.region"() ({
      %run_scoped3A = tpu.sem_alloc : memref<!tpu.dma_semaphore, #tpu.memory_space<semaphore_mem>>
      %dma_start3A_54 = arith.constant 0 : i32
      %dma_start3A_55 = tpu.memref_slice %arg7[%add3A, %dma_start3A_54] : memref<32x20480xf32, #tpu.memory_space<hbm>> -> memref<1x20480xf32, #tpu.memory_space<hbm>>
      %dma_start3A_56 = tpu.memref_squeeze %dma_start3A_55 : memref<1x20480xf32, #tpu.memory_space<hbm>> -> memref<20480xf32, #tpu.memory_space<hbm>>
      %dma_start3A_57 = arith.constant 0 : i32
      %dma_start3A_58 = tpu.memref_slice %arg7[%add3A, %dma_start3A_57] : memref<32x20480xf32, #tpu.memory_space<hbm>> -> memref<1x20480xf32, #tpu.memory_space<hbm>>
      %dma_start3A_59 = tpu.memref_squeeze %dma_start3A_58 : memref<1x20480xf32, #tpu.memory_space<hbm>> -> memref<20480xf32, #tpu.memory_space<hbm>>
      tpu.enqueue_dma source(%arg12 : memref<20480xf32, #tpu.memory_space<vmem>>) target(%dma_start3A_59 : memref<20480xf32, #tpu.memory_space<hbm>>) target_semaphore(%run_scoped3A : memref<!tpu.dma_semaphore, #tpu.memory_space<semaphore_mem>>)
      %dma_wait3A = arith.constant 0 : i32
      %dma_wait3A_60 = tpu.memref_slice %arg7[%add3A, %dma_wait3A] : memref<32x20480xf32, #tpu.memory_space<hbm>> -> memref<1x20480xf32, #tpu.memory_space<hbm>>
      %dma_wait3A_61 = tpu.memref_squeeze %dma_wait3A_60 : memref<1x20480xf32, #tpu.memory_space<hbm>> -> memref<20480xf32, #tpu.memory_space<hbm>>
      %dma_wait3A_62 = arith.constant 0 : i32
      %dma_wait3A_63 = tpu.memref_slice %arg7[%add3A, %dma_wait3A_62] : memref<32x20480xf32, #tpu.memory_space<hbm>> -> memref<1x20480xf32, #tpu.memory_space<hbm>>
      %dma_wait3A_64 = tpu.memref_squeeze %dma_wait3A_63 : memref<1x20480xf32, #tpu.memory_space<hbm>> -> memref<20480xf32, #tpu.memory_space<hbm>>
      tpu.wait_dma2 semaphore(%run_scoped3A : memref<!tpu.dma_semaphore, #tpu.memory_space<semaphore_mem>>) src(%arg12 : memref<20480xf32, #tpu.memory_space<vmem>>) dst(%dma_wait3A_64 : memref<20480xf32, #tpu.memory_space<hbm>>)
      tpu.yield
    }) : () -> ()
    return
  }
}

module attributes {stable_mosaic.version = 14 : i64} {
  func.func @_loss_body(%arg0: memref<32x160x128xf32, #tpu.memory_space<vmem>>, %arg1: memref<32x160x128xf32, #tpu.memory_space<vmem>>, %arg2: memref<1x1xf32, #tpu.memory_space<smem>>) attributes {dimension_semantics = [], scalar_prefetch = 0 : i64, scratch_operands = 0 : i64, tpu.core_type = #tpu.core_type<tc>} {
    %get3A = arith.constant 0 : index
    %get3A_0 = arith.constant 0 : index
    %get3A_1 = arith.constant 0 : index
    %get3A_2 = vector.load %arg0[%get3A, %get3A_0, %get3A_1] : memref<32x160x128xf32, #tpu.memory_space<vmem>>, vector<32x160x128xf32>
    %reduce_sum3A = arith.constant dense<0.000000e+00> : vector<160x128xf32>
    %reduce_sum3A_3 = vector.multi_reduction <add>, %get3A_2, %reduce_sum3A [0] : vector<32x160x128xf32> to vector<160x128xf32>
    %get3A_4 = arith.constant 0 : index
    %get3A_5 = arith.constant 0 : index
    %get3A_6 = arith.constant 0 : index
    %get3A_7 = vector.load %arg1[%get3A_4, %get3A_5, %get3A_6] : memref<32x160x128xf32, #tpu.memory_space<vmem>>, vector<32x160x128xf32>
    %reduce_sum3A_8 = arith.constant dense<0.000000e+00> : vector<160x128xf32>
    %reduce_sum3A_9 = vector.multi_reduction <add>, %get3A_7, %reduce_sum3A_8 [0] : vector<32x160x128xf32> to vector<160x128xf32>
    %iota3A = tpu.iota {dimensions = array<i32: 0>} : vector<128x8xi32>
    %iota3A_10 = tpu.iota {dimensions = array<i32: 1>} : vector<128x8xi32>
    %jit3A = arith.constant 16 : i32
    %div3A = vector.broadcast %jit3A : i32 to vector<128x8xi32>
    %div3A_11 = arith.divsi %iota3A, %div3A : vector<128x8xi32>
    %sign3A = arith.constant 0 : i32
    %sign3A_12 = vector.broadcast %sign3A : i32 to vector<128x8xi32>
    %sign3A_13 = arith.cmpi sgt, %iota3A, %sign3A_12 : vector<128x8xi32>
    %sign3A_14 = arith.extui %sign3A_13 : vector<128x8xi1> to vector<128x8xi32>
    %sign3A_15 = arith.constant 0 : i32
    %sign3A_16 = vector.broadcast %sign3A_15 : i32 to vector<128x8xi32>
    %sign3A_17 = arith.cmpi slt, %iota3A, %sign3A_16 : vector<128x8xi32>
    %sign3A_18 = arith.extui %sign3A_17 : vector<128x8xi1> to vector<128x8xi32>
    %sign3A_19 = arith.subi %sign3A_14, %sign3A_18 : vector<128x8xi32>
    %sign3A_20 = arith.constant 0 : i32
    %sign3A_21 = arith.cmpi sgt, %jit3A, %sign3A_20 : i32
    %sign3A_22 = arith.extui %sign3A_21 : i1 to i32
    %sign3A_23 = arith.constant 0 : i32
    %sign3A_24 = arith.cmpi slt, %jit3A, %sign3A_23 : i32
    %sign3A_25 = arith.extui %sign3A_24 : i1 to i32
    %sign3A_26 = arith.subi %sign3A_22, %sign3A_25 : i32
    %ne3A = vector.broadcast %sign3A_26 : i32 to vector<128x8xi32>
    %ne3A_27 = arith.cmpi ne, %sign3A_19, %ne3A : vector<128x8xi32>
    %rem3A = vector.broadcast %jit3A : i32 to vector<128x8xi32>
    %rem3A_28 = arith.remsi %iota3A, %rem3A : vector<128x8xi32>
    %ne3A_29 = arith.constant 0 : i32
    %ne3A_30 = vector.broadcast %ne3A_29 : i32 to vector<128x8xi32>
    %ne3A_31 = arith.cmpi ne, %rem3A_28, %ne3A_30 : vector<128x8xi32>
    %and3A = arith.andi %ne3A_27, %ne3A_31 : vector<128x8xi1>
    %sub3A = arith.constant 1 : i32
    %sub3A_32 = vector.broadcast %sub3A : i32 to vector<128x8xi32>
    %sub3A_33 = arith.subi %div3A_11, %sub3A_32 : vector<128x8xi32>
    %select_n3A = arith.select %and3A, %sub3A_33, %div3A_11 : vector<128x8xi1>, vector<128x8xi32>
    %eq3A = arith.cmpi eq, %select_n3A, %iota3A_10 : vector<128x8xi32>
    %convert_element_type3A = arith.extui %eq3A : vector<128x8xi1> to vector<128x8xi32>
    %convert_element_type3A_34 = arith.sitofp %convert_element_type3A : vector<128x8xi32> to vector<128x8xf32>
    %dot_general3A = arith.constant dense<0.000000e+00> : vector<160x8xf32>
    %dot_general3A_35 = tpu.matmul %reduce_sum3A_3, %convert_element_type3A_34, %dot_general3A {dimension_numbers = #tpu.dot_dimension_numbers<[1], [0], [0], [1], [0, 0, 1, 1], [], []>, transpose_lhs_hint = false} : vector<160x128xf32>, vector<128x8xf32>, vector<160x8xf32> -> vector<160x8xf32>
    %dot_general3A_36 = arith.constant dense<0.000000e+00> : vector<160x8xf32>
    %dot_general3A_37 = tpu.matmul %reduce_sum3A_9, %convert_element_type3A_34, %dot_general3A_36 {dimension_numbers = #tpu.dot_dimension_numbers<[1], [0], [0], [1], [0, 0, 1, 1], [], []>, transpose_lhs_hint = false} : vector<160x128xf32>, vector<128x8xf32>, vector<160x8xf32> -> vector<160x8xf32>
    %add3A = arith.constant 9.99999993E-9 : f32
    %add3A_38 = vector.broadcast %add3A : f32 to vector<160x8xf32>
    %add3A_39 = arith.addf %dot_general3A_37, %add3A_38 : vector<160x8xf32>
    %mul3A = arith.constant 3.200000e+01 : f32
    %mul3A_40 = vector.broadcast %mul3A : f32 to vector<160x8xf32>
    %mul3A_41 = arith.mulf %add3A_39, %mul3A_40 : vector<160x8xf32>
    %div3A_42 = arith.divf %dot_general3A_35, %mul3A_41 : vector<160x8xf32>
    %slice3A = vector.extract_strided_slice %div3A_42 {offsets = [0, 0], sizes = [80, 8], strides = [1, 1]} : vector<160x8xf32> to vector<80x8xf32>
    %slice3A_43 = vector.extract_strided_slice %div3A_42 {offsets = [80, 0], sizes = [80, 8], strides = [1, 1]} : vector<160x8xf32> to vector<80x8xf32>
    %sub3A_44 = arith.subf %slice3A, %slice3A_43 : vector<80x8xf32>
    %mul3A_45 = arith.mulf %sub3A_44, %sub3A_44 : vector<80x8xf32>
    %reduce_sum3A_46 = vector.shape_cast %mul3A_45 : vector<80x8xf32> to vector<1x80x8xf32>
    %reduce_sum3A_47 = arith.constant dense<0.000000e+00> : vector<1xf32>
    %reduce_sum3A_48 = vector.multi_reduction <add>, %reduce_sum3A_46, %reduce_sum3A_47 [1, 2] : vector<1x80x8xf32> to vector<1xf32>
    %reduce_sum3A_49 = vector.shape_cast %reduce_sum3A_48 : vector<1xf32> to vector<1x1x1xf32>
    %reduce_sum3A_50 = vector.extract %reduce_sum3A_49[0, 0, 0] : f32 from vector<1x1x1xf32>
    %sqrt3A = math.sqrt %reduce_sum3A_50 : f32
    %swap3A = arith.constant 0 : index
    %swap3A_51 = arith.constant 0 : index
    %swap3A_52 = memref.load %arg2[%swap3A, %swap3A_51] : memref<1x1xf32, #tpu.memory_space<smem>>
    memref.store %sqrt3A, %arg2[%swap3A, %swap3A_51] : memref<1x1xf32, #tpu.memory_space<smem>>
    return
  }
}

</mosaic_0001>

<sc_bundles>
// kernel: kernel.4.cloned.1.call-start
scs
__scs_entry_jumppad:
0x0: {  	(pc) =	sbr.rel $0x88, $3  }
0x1: {  	(tag) =	ssettag $0x0;
	lr =	simm.s32 $0x1  }
0x2: {  	[smem:$0x3F9D] =	sst lr;
	_ =	strace $0xD0000000  }
0x3: {  	_ = 	snop  }
0x4: {  	_ = 	snop  }
0x5: {  	_ = 	snop  }
0x6: {  	_ = 	snop  }
0x7: {  	_ = 	snop  }
__scs_overlays_trampoline_lowered:
0x8: {  	[smem:$0x3FAC] =	sst s0  }
0x9: {  	[smem:$0x3FAD] =	sst s1  }
0xa: {  	[smem:$0x3FAE] =	sst s2  }
0xb: {  	[smem:$0x3FAF] =	sst s3  }
0xc: {  	[smem:$0x3FB0] =	sst s4  }
0xd: {  	[smem:$0x3FB1] =	sst s5  }
0xe: {  	[smem:$0x3FB2] =	sst s6  }
0xf: {  	[smem:$0x3FB3] =	sst s7  }
0x10: {  	[smem:$0x3FB4] =	sst s8  }
0x11: {  	[smem:$0x3FB5] =	sst s9;
	s0 =	simm.s32 @!p0 $0x0  }
0x12: {  	s1 =	sld [smem:$0x3F9B];
	s0 =	simm.s32 @p0 $0x1  }
0x13: {  	[smem:$0x3FB6] =	sst s0;
	s0 =	simm.s32 @!p1 $0x0  }
0x14: {  	s2 =	sld [smem:$0x3F9A];
	s0 =	simm.s32 @p1 $0x1  }
0x15: {  	[smem:$0x3FB7] =	sst s0;
	s0 =	simm.s32 @!p2 $0x0  }
0x16: {  	s3 =	sld [smem:$0x3FDB];
	s0 =	simm.s32 @p2 $0x1  }
0x17: {  	s4 =	simm.s32 $0x1BF5;
	[smem:$0x3FB9] =	sst s0  }
0x18: {  	s0 =	sld [smem:$0x3F9C];
	_ =	swait.ge [sflag:s4], $0x0  }
0x19: {  	s7 =	sld [smem:$0x3F9D]  }
0x1a: {  	s8 =	sadd.s32 $0xFFFFE003, lr  }
0x1b: {  	s9 =	sadd.s32 $0xFFFFFEF7, lr;
	s5 =	simm.s32 $0xFFFFFFFF;
	p2 =	slt.u32 s8, $0xFFFFF086  }
0x1c: {  	p1 =	slt.u32 s9, $0xF7A;
	s5 =	simm.s32 @!p2 $0x0  }
0x1d: {  	s5 =	simm.s32 @p1 $0x1;
	p0 =	seq.s32 s7, s2  }
0x1e: {  	s7 =	smul.u32 @!p0 $0xF7A, s2;
	p2 =	seq.s32 @!p0 s5, $0x0  }
0x1f: {  	s9 =	smul.u32 $0xF7A, s1;
	s8 =	simm.s32 @!p0 $0x1BF5;
	p2 =	por !p2, p0  }
0x20: {  	[sflag:s8] =	ssyncset.s32 @!p0 $0xFFFFF086;
	s6 =	sadd.s32 @!p0 s3, s7;
	s7 =	simm.s32 @!p0 $0x108  }
0x21: {  	s3 =	sadd.s32 s3, s9;
	s6 =	sadd.s32 @!p0 $0x88, s6;
	s7 =	simm.s32 @p2 $0x1082  }
0x22: {  	[simem:s7], [sflag:s8] =	dma.local @!p0 [hbm:s6], $0xF7A  }
0x23: {  	s9 =	sor.u32 $0xD0000000, s2;
	s6 =	simm.s32 $0x108;
	_ =	swait.ge @!p0 [sflag:s8], $0x0  }
0x24: {  	s3 =	sadd.s32 $0x88, s3;
	s6 =	simm.s32 @!p1 $0x1082;
	[sflag:s4] =	ssyncset.s32 $0xFFFFF086  }
0x25: {  	[simem:s6], [sflag:s4] =	dma.local [hbm:s3], $0xF7A  }
0x26: {  	[smem:$0x3F9D] =	sst s1;
	(tag) =	ssettag s2;
	_ =	strace s9  }
0x27: {  	s1 =	sld [smem:$0x3FAD]  }
0x28: {  	s2 =	sld [smem:$0x3FAE]  }
0x29: {  	s4 =	sld [smem:$0x3FB0]  }
0x2a: {  	p0 =	seq.s32 s5, $0x0;
	s5 =	sld [smem:$0x3FB1]  }
0x2b: {  	s6 =	sld [smem:$0x3FB2]  }
0x2c: {  	s7 =	sld [smem:$0x3FB3]  }
0x2d: {  	s3 =	simm.s32 $0x108;
	s8 =	sld [smem:$0x3FB4]  }
0x2e: {  	s3 =	simm.s32 @!p0 $0x1082;
	s9 =	sld [smem:$0x3FB5]  }
0x2f: {  	lr =	sadd.s32 s0, s3;
	s0 =	sld [smem:$0x3FAC]  }
0x30: {  	s3 =	sld [smem:$0x3FAF]  }
0x31: {  	[smem:$0x3FB8] =	sst s10  }
0x32: {  	s10 =	sld [smem:$0x3FB6];
	_ =	sdelay $0x3  }
0x33: {  	p0 =	seq.s32 s10, $0x1;
	s10 =	sld [smem:$0x3FB8];
	_ =	sdelay $0x3  }
0x34: {  	[smem:$0x3FB8] =	sst s10  }
0x35: {  	s10 =	sld [smem:$0x3FB7];
	_ =	sdelay $0x3  }
0x36: {  	p1 =	seq.s32 s10, $0x1;
	s10 =	sld [smem:$0x3FB8];
	_ =	sdelay $0x3  }
0x37: {  	[smem:$0x3FB8] =	sst s10  }
0x38: {  	s10 =	sld [smem:$0x3FB9]  }
0x39: {  	_ = 	snop;
	(pc) =	sbr.ind lr, $3  }
0x3a: {  	_ = 	snop  }
0x3b: {  	_ = 	snop  }
0x3c: {  	p2 =	seq.s32 s10, $0x1;
	s10 =	sld [smem:$0x3FB8]  }
0x3d: {  	_ =	shalt  }
0x3e: {  	_ =	shalt  }
0x3f: {  	_ =	shalt  }
0x40: {  	_ =	shalt  }
0x41: {  	_ =	shalt  }
0x42: {  	_ =	shalt  }
0x43: {  	_ =	shalt  }
0x44: {  	_ =	shalt  }
0x45: {  	_ =	shalt  }
0x46: {  	_ =	shalt  }
0x47: {  	_ =	shalt  }
0x48: {  	_ =	shalt  }
0x49: {  	_ =	shalt  }
0x4a: {  	_ =	shalt  }
0x4b: {  	_ =	shalt  }
0x4c: {  	_ =	shalt  }
0x4d: {  	_ =	shalt  }
0x4e: {  	_ =	shalt  }
0x4f: {  	_ =	shalt  }
0x50: {  	_ =	shalt  }
0x51: {  	_ =	shalt  }
0x52: {  	_ =	shalt  }
0x53: {  	_ =	shalt  }
0x54: {  	_ =	shalt  }
0x55: {  	_ =	shalt  }
0x56: {  	_ =	shalt  }
0x57: {  	_ =	shalt  }
0x58: {  	_ =	shalt  }
0x59: {  	_ =	shalt  }
0x5a: {  	_ =	shalt  }
0x5b: {  	_ =	shalt  }
0x5c: {  	_ =	shalt  }
0x5d: {  	_ =	shalt  }
0x5e: {  	_ =	shalt  }
0x5f: {  	_ =	shalt  }
0x60: {  	_ =	shalt  }
0x61: {  	_ =	shalt  }
0x62: {  	_ =	shalt  }
0x63: {  	_ =	shalt  }
0x64: {  	_ =	shalt  }
0x65: {  	_ =	shalt  }
0x66: {  	_ =	shalt  }
0x67: {  	_ =	shalt  }
0x68: {  	_ =	shalt  }
0x69: {  	_ =	shalt  }
0x6a: {  	_ =	shalt  }
0x6b: {  	_ =	shalt  }
0x6c: {  	_ =	shalt  }
0x6d: {  	_ =	shalt  }
0x6e: {  	_ =	shalt  }
0x6f: {  	_ =	shalt  }
0x70: {  	_ =	shalt  }
0x71: {  	_ =	shalt  }
0x72: {  	_ =	shalt  }
0x73: {  	_ =	shalt  }
0x74: {  	_ =	shalt  }
0x75: {  	_ =	shalt  }
0x76: {  	_ =	shalt  }
0x77: {  	_ =	shalt  }
0x78: {  	_ =	shalt  }
0x79: {  	_ =	shalt  }
0x7a: {  	_ =	shalt  }
0x7b: {  	_ =	shalt  }
0x7c: {  	_ =	shalt  }
0x7d: {  	_ =	shalt  }
0x7e: {  	_ =	shalt  }
0x7f: {  	_ =	shalt  }
0x80: {  	_ =	shalt  }
0x81: {  	_ =	shalt  }
0x82: {  	_ =	shalt  }
0x83: {  	_ =	shalt  }
0x84: {  	_ =	shalt  }
0x85: {  	_ =	shalt  }
0x86: {  	_ =	shalt  }
0x87: {  	_ =	shalt  }
.Lfunc_end0:
.L_simem_size_0:
called_computation_lowered:
.L_overlay_start_0:
0x88: {  	s2 =	sld [smem:$0x3FD9]  }
0x89: {  	s3 =	sld [smem:$0x3FFE];
	_ =	sdelay $0x1  }
0x8a: {  	s1 =	srdreg.scid  }
0x8b: {  	s0 =	sand.u32 $0x1, s1  }
0x8c: {  	s16 =	sshll.u32 s0, $0xA;
	s2 =	sadd.s32 s3, s2  }
0x8d: {  	s2 =	sadd.s32 s2, s16  }
0x8e: {  	[smem:$0x3FC4] =	sst s2  }
0x8f: {  	_ = 	snop  }
0x90: {  	(tm) =	ssettm $0x1  }
0x91: {  	s17 =	sld [smem:$0x3FFB];
	_ =	sdelay $0x3  }
0x92: {  	_ =	strace s17  }
0x93: {  	s2 =	sld [smem:$0x3FFC];
	_ =	sdelay $0x3  }
0x94: {  	_ =	strace s2  }
0x95: {  	s2 =	sld [smem:$0x3FFD];
	_ =	sdelay $0x3  }
0x96: {  	_ =	strace s2  }
0x97: {  	_ =	strace $0x8FFFFFFF  }
0x98: {  	s18 =	sld [smem:$0x3FDB];
	_ =	sdelay $0x1  }
0x99: {  	s19 =	simm.s32 $_scs_section_size  }
0x9a: {  	s4 =	simm.s32 $_size__tile_overlayer_lowered;
	s5 =	simm.s32 $_tile_overlayer_lowered  }
0x9b: {  	s22 =	simm.s32 $0x1BFF;
	s21 =	sshll.u32 s5, $0x1;
	s2 =	sadd.s32 s19, s18  }
0x9c: {  	s6 =	simm.s32 $0x0;
	s20 =	sshll.u32 s4, $0x1;
	s4 =	sadd.s32 s21, s2  }
0x9d: {  	[timem:s6], [sflag:s22] =	dma.local [hbm:s4], s20  }
0x9e: {  	_ =	swait.ge [sflag:s22], s20  }
0x9f: {  	s3 =	ssub.s32 $0x0, s20;
	[sflag:s22] =	ssyncset.done $0x0  }
0xa0: {  	[sflag:s22] =	ssyncadd.s32 s3;
	_ =	sdelay $0x1  }
0xa1: {  	s23 =	simm.s32 $0x1B8B  }
0xa2: {  	_ =	swait.ge [sflag:s23], $0x1  }
0xa3: {  	[sflag:s23] =	ssyncset.done $0x0  }
0xa4: {  	s25 =	simm.s32 $0x1B8E;
	s24 =	sld [smem:$0x3FFE];
	[sflag:s23] =	ssyncadd.s32 $0xFFFFFFFF  }
0xa5: {  	s26 =	simm.s32 $execute0_lowered;
	[smem:$0x3FD2] =	sst s25  }
0xa6: {  	s4 =	sshll.u32 s26, $0x1;
	_ =	strace $0x80000046;
	[dreg:$0x1] =	wrdreg $0xFFFFFFFF  }
0xa7: {  	s28 =	simm.s32 $_size_execute0_lowered;
	s2 =	sadd.s32 s2, s4;
	[dreg:$0x0] =	wrdreg $0x0  }
0xa8: {  	s4 =	sshll.u32 s28, $0x1;
	[dreg:$0x2] =	wrdreg s2  }
0xa9: {  	[dreg:$0x3] =	wrdreg s4  }
0xaa: {  	[dreg:$0x4] =	wrdreg $0xC0  }
0xab: {  	_ =	task [dreg:s6], $0x5FFFF  }
0xac: {  	[dreg:$0x1] =	wrdreg $0xFFFFFFFF  }
0xad: {  	[dreg:$0x0] =	wrdreg $0x60  }
0xae: {  	[dreg:$0x2] =	wrdreg s24  }
0xaf: {  	[dreg:$0x3] =	wrdreg $0x9  }
0xb0: {  	_ =	task.clear_ibuf [dreg:s6], $0x4FFFF;
	_ =	strace $0x90000046  }
0xb1: {  	s29 =	simm.s32 $0x9;
	_ =	strace $0x80000048  }
0xb2: {  	_ =	swait.ge [sflag:s29], $0x1  }
0xb3: {  	[sflag:s29] =	ssyncadd.s32 $0xFFFFFFFF  }
0xb4: {  	_ =	strace $0x90000048  }
0xb5: {  	_ =	sfence  }
0xb6: {  	s30 =	sld [smem:$0x0];
	_ =	sdelay $0x2  }
0xb7: {  	s31 =	sshll.u32 s1, $0xD;
	s1 =	sshrl.u32 s1, $0x2  }
0xb8: {  	s3 =	sand.u32 $0x4000, s31;
	s1 =	sadd.s32 s1, s30  }
0xb9: {  	s0 =	sor.u32 s3, s0;
	s1 =	sshll.u32 s1, $0x11  }
0xba: {  	s0 =	sor.u32 s1, s0  }
0xbb: {  	s0 =	sadd.s32 $0x8F2B, s0  }
0xbc: {  	[sflag:s0] =	ssyncadd.remote.s32 $0x1  }
0xbd: {  	_ =	sfence.sel $0xFFFF  }
0xbe: {  	[dreg:$0x0] =	wrdreg $0xFFFFFFFF;
	(pc) =	sbr.abs _section_cstart, $3  }
0xbf: {  	[dreg:$0x1] =	wrdreg $0xFFFFFFFF  }
0xc0: {  	_ =	task.clear_ibuf [dreg:s6], $0x2FFFF;
	_ =	strace $0x9FFFFFFF  }
0xc1: {  	(tm) =	ssettm $0x7FFFFFFF  }
tec
execute0_lowered:
.L_overlay_start_1:
0x0: {  	(tag) =	ssettag $0x1  }
0x1: {  	s5 =	rddreg [dreg:$0x0]  }
0x2: {  	s2 =	srdreg.scid;
	s1 =	stileid.u32  }
0x3: {  	s0 =	rddreg [dreg:$0x1];
	s13 =	simm.s32 $0x3;
	s14 =	simm.s32 $0xC400  }
0x4: {  	s15 =	simm.s32 $0x14500;
	s16 =	simm.s32 $0xDC80;
	s19 =	simm.s32 $0x2  }
0x5: {  	s20 =	simm.s32 $0x80;
	s21 =	simm.s32 $0x400;
	s22 =	simm.s32 $0x0  }
0x6: {  	s6 =	sand.u32 $0x1, s2;
	s3 =	sshll.u32 s1, $0x1;
	s2 =	simm.s32 $0x0  }
0x7: {  	s28 =	sshrl.u32 s1, $0x2;
	s4 =	sadd.s32 $0x683000, s5;
	s7 =	sor.u32 s6, s3  }
0x8: {  	[smem:$0x7FF] =	sst s2;
	s8 =	smul.u32 $0x28000, s28;
	s3 =	sadd.s32 $0x63000, s5  }
0x9: {  	s6 =	ssub.s32 $0x2, s6;
	s29 =	sshll.u32 s7, $0x7;
	s9 =	smul.u32 $0x1880, s7  }
0xa: {  	_ =	strace $0x80000047;
	s30 =	sshrl.u32 s6, $0x1;
	s31 =	smul.u32 $0x31000, s7  }
0xb: {  	s17 =	smul.u32 $0x14, s7;
	s7 =	sshll.u32 s7, $0x5;
	s10 =	sand.u32 $0x380, s29  }
0xc: {  	s12 =	ssub.s32 s6, s30;
	s8 =	sor.u32 s8, s10;
	s9 =	sadd.s32 s9, s5  }
0xd: {  	s6 =	sadd.s32 s3, s31;
	s18 =	sadd.s32 $0x280, s17;
	s12 =	smax.u32 s12, $0x1  }
0xe: {  	v0 =	vmov s17;
	s17 =	simm.s32 $0x1;
	s8 =	sshrl.u32 s8, $0x3;
	v1 =	vmov s18;
	s18 =	simm.s32 $0xF500  }
0xf: {  	s11 =	sadd.s32 s8, s5;
	s5 =	sadd.s32 $0x1000, s9;
	s8 =	sadd.s32 $0x32000, s9  }
0x10: {  	v2 =	vimm.f32 $0.0e+00;
	v3 =	vlaneseq.u32;
	v4 =	vimm.f32 $1.000000000e+00;
	s9 =	sadd.s32 s4, s31;
	s10 =	sadd.s32 $0xCA3000, s11;
	s11 =	sadd.s32 $0xCB7000, s11  }
.LBB2_1:
0x11: {  	s23 =	simm.s32 $0xF540  }
0x12: {  	[tilespmem:s23+$0x30] =	vst v2  }
0x13: {  	[tilespmem:s23+$0xFFFFFFF0] =	vst v2  }
0x14: {  	[tilespmem:s23+$0xFFFFFFC0] =	vst v2  }
0x15: {  	[tilespmem:s23+$0xFFFFFFE0] =	vst v2  }
0x16: {  	[tilespmem:s23+$0x10] =	vst v2  }
0x17: {  	[tilespmem:s23+$0x20] =	vst v2  }
0x18: {  	[tilespmem:s23+$0x0] =	vst v2  }
0x19: {  	s24 =	simm.s32 $0x14540;
	[tilespmem:s23+$0xFFFFFFD0] =	vst v2  }
0x1a: {  	[tilespmem:s24+$0xFFFFFFC0] =	vst v2  }
0x1b: {  	[tilespmem:s24+$0x30] =	vst v2  }
0x1c: {  	[tilespmem:s24+$0x20] =	vst v2  }
0x1d: {  	[tilespmem:s24+$0x10] =	vst v2  }
0x1e: {  	[tilespmem:s24+$0xFFFFFFE0] =	vst v2  }
0x1f: {  	[tilespmem:s24+$0x0] =	vst v2  }
0x20: {  	s25 =	simm.s32 $0x0;
	[tilespmem:s24+$0xFFFFFFF0] =	vst v2  }
.LBB2_2:
0x21: {  	s25 =	sadd.s32 $0x8, s25;
	[tilespmem:s24+$0xFFFFFFD0] =	vst v2;
	s23 =	sadd.s32 $0x80, s23;
	s24 =	sadd.s32 $0x80, s24  }
0x22: {  	[tilespmem:s23+$0x30] =	vst v2;
	p0 =	slt.u32 s25, $0x4F8  }
0x23: {  	[tilespmem:s23+$0xFFFFFFF0] =	vst v2  }
0x24: {  	[tilespmem:s23+$0xFFFFFFC0] =	vst v2  }
0x25: {  	[tilespmem:s24+$0xFFFFFFC0] =	vst v2  }
0x26: {  	[tilespmem:s24+$0x30] =	vst v2  }
0x27: {  	[tilespmem:s23+$0xFFFFFFE0] =	vst v2  }
0x28: {  	[tilespmem:s23+$0x10] =	vst v2  }
0x29: {  	[tilespmem:s23+$0x20] =	vst v2  }
0x2a: {  	[tilespmem:s24+$0x20] =	vst v2  }
0x2b: {  	[tilespmem:s24+$0x10] =	vst v2  }
.Ltmp0:
0x2c: {  	[tilespmem:s24+$0xFFFFFFE0] =	vst v2;
	(pc) =	sbr.rel @p0 .LBB2_2-.Ltmp0, $4  }
0x2d: {  	[tilespmem:s23+$0x0] =	vst v2  }
0x2e: {  	[tilespmem:s24+$0x0] =	vst v2  }
0x2f: {  	[tilespmem:s24+$0xFFFFFFF0] =	vst v2  }
0x30: {  	[tilespmem:s23+$0xFFFFFFD0] =	vst v2  }
0x31: {  	[tilespmem:s24+$0xFFFFFFD0] =	vst v2  }
0x32: {  	[tilespmem:s2], [sflag:$0x3] =	stream.linear.gather [hbm4b:s5+s2], $0xC400, $0x38;
	[tilespmem:$0x19500] =	vst v63  }
0x33: {  	_ =	swait.ge [sflag:s13], $0xC400  }
0x34: {  	[sflag:s13] =	ssyncset.done $0x0  }
0x35: {  	s23 =	simm.s32 $0x40;
	[sflag:s13] =	ssyncadd.s32 $0xFFFF3C00  }
0x36: {  	[tilespmem:s14], [sflag:$0x1] =	stream.linear.gather [hbm4b:s6+s2], $0x1880, $0x38;
	[tilespmem:$0x19500] =	vst v63  }
0x37: {  	v5 =	vld [tilespmem:s23+$0x30]  }
0x38: {  	v6 =	vld [tilespmem:s23+$0xFFFFFFD0]  }
0x39: {  	v7 =	vld [tilespmem:s23+$0xFFFFFFE0]  }
0x3a: {  	v8 =	vld [tilespmem:s23+$0xFFFFFFF0];
	_ =	sdelay $0x1  }
0x3b: {  	v9 =	vld [tilespmem:s23+$0x0];
	v5 =	vadd.s32 v0, v5  }
0x3c: {  	v10 =	vld [tilespmem:s23+$0x10];
	v6 =	vadd.s32 v0, v6;
	v5 =	vshll.u32 v5, $0x4  }
0x3d: {  	v11 =	vld [tilespmem:s23+$0x20];
	v7 =	vadd.s32 v0, v7;
	v6 =	vshll.u32 v6, $0x4;
	v12 =	vor.u32 v3, v5  }
0x3e: {  	v13 =	vld [tilespmem:s23+$0xFFFFFFC0];
	v6 =	vor.u32 v3, v6;
	v5 =	vshll.u32 v7, $0x4;
	v7 =	vadd.s32 v0, v8  }
0x3f: {  	v8 =	vor.u32 v3, v5;
	v5 =	vshll.u32 v7, $0x4  }
0x40: {  	v7 =	vadd.s32 v0, v9;
	v9 =	vor.u32 v3, v5;
	_ =	sdelay $0x1  }
0x41: {  	v5 =	vshll.u32 v7, $0x4;
	v7 =	vadd.s32 v0, v10;
	v10 =	vadd.s32 v0, v11;
	[tilespmem:v12+s15+$0x0] =	vst.idx.add.f32.msk $0xffff, v4  }
0x42: {  	v11 =	vadd.s32 v0, v13;
	v5 =	vor.u32 v3, v5;
	v7 =	vshll.u32 v7, $0x4;
	[tilespmem:v6+s15+$0x0] =	vst.idx.add.f32.msk $0xffff, v4  }
0x43: {  	v6 =	vor.u32 v3, v7;
	v7 =	vshll.u32 v10, $0x4;
	v10 =	vshll.u32 v11, $0x4;
	[tilespmem:v8+s15+$0x0] =	vst.idx.add.f32.msk $0xffff, v4  }
0x44: {  	s24 =	simm.s32 $0x0;
	s25 =	simm.s32 $0xC0;
	v7 =	vor.u32 v3, v7;
	v8 =	vor.u32 v3, v10;
	[tilespmem:v9+s15+$0x0] =	vst.idx.add.f32.msk $0xffff, v4  }
.LBB2_4:
0x45: {  	v9 =	vld [tilespmem:s25+$0x30];
	s24 =	sadd.s32 $0x8, s24  }
0x46: {  	v10 =	vld [tilespmem:s25+$0xFFFFFFD0];
	p0 =	slt.u32 s24, $0xC38  }
0x47: {  	v11 =	vld [tilespmem:s25+$0xFFFFFFE0]  }
0x48: {  	v12 =	vld [tilespmem:s25+$0xFFFFFFF0]  }
0x49: {  	v13 =	vld [tilespmem:s25+$0x0]  }
0x4a: {  	v14 =	vld [tilespmem:s25+$0x10];
	v9 =	vadd.s32 v0, v9  }
0x4b: {  	v10 =	vadd.s32 v0, v10;
	v15 =	vld [tilespmem:s25+$0x20];
	v9 =	vshll.u32 v9, $0x4  }
0x4c: {  	v16 =	vld [tilespmem:s25+$0xFFFFFFC0];
	v10 =	vshll.u32 v10, $0x4;
	v11 =	vadd.s32 v0, v11;
	v9 =	vor.u32 v3, v9  }
0x4d: {  	v10 =	vor.u32 v3, v10;
	v11 =	vshll.u32 v11, $0x4;
	v12 =	vadd.s32 v0, v12;
	[tilespmem:v8+s15+$0x0] =	vst.idx.add.f32.msk $0xffff, v4  }
0x4e: {  	v11 =	vor.u32 v3, v11;
	v8 =	vshll.u32 v12, $0x4;
	v12 =	vadd.s32 v0, v13;
	[tilespmem:v5+s15+$0x0] =	vst.idx.add.f32.msk $0xffff, v4  }
0x4f: {  	v13 =	vor.u32 v3, v8;
	v5 =	vshll.u32 v12, $0x4;
	v8 =	vadd.s32 v0, v14;
	[tilespmem:v6+s15+$0x0] =	vst.idx.add.f32.msk $0xffff, v4  }
.Ltmp1:
0x50: {  	v5 =	vor.u32 v3, v5;
	v6 =	vshll.u32 v8, $0x4;
	v8 =	vadd.s32 v0, v15;
	[tilespmem:v7+s15+$0x0] =	vst.idx.add.f32.msk $0xffff, v4;
	(pc) =	sbr.rel @p0 .LBB2_4-.Ltmp1, $4  }
0x51: {  	s23 =	simm.s32 $0x0;
	v7 =	vadd.s32 v0, v16;
	v6 =	vor.u32 v3, v6;
	v8 =	vshll.u32 v8, $0x4;
	[tilespmem:v9+s15+$0x0] =	vst.idx.add.f32.msk $0xffff, v4  }
0x52: {  	v9 =	vshll.u32 v7, $0x4;
	[tilespmem:v10+s15+$0x0] =	vst.idx.add.f32.msk $0xffff, v4;
	v7 =	vor.u32 v3, v8  }
0x53: {  	v8 =	vor.u32 v3, v9;
	[tilespmem:v11+s15+$0x0] =	vst.idx.add.f32.msk $0xffff, v4  }
0x54: {  	s25 =	sadd.s32 $0x80, s25;
	[tilespmem:v13+s15+$0x0] =	vst.idx.add.f32.msk $0xffff, v4  }
0x55: {  	_ =	sdelay $0x3  }
0x56: {  	[tilespmem:v8+s15+$0x0] =	vst.idx.add.f32.msk $0xffff, v4  }
0x57: {  	[tilespmem:v5+s15+$0x0] =	vst.idx.add.f32.msk $0xffff, v4  }
0x58: {  	[tilespmem:v6+s15+$0x0] =	vst.idx.add.f32.msk $0xffff, v4  }
0x59: {  	[tilespmem:v7+s15+$0x0] =	vst.idx.add.f32.msk $0xffff, v4;
	s24 =	simm.s32 $0x0  }
.LBB2_6:
0x5a: {  	s25 =	sshll.u32 s24, $0x1  }
0x5b: {  	s26 =	sshrl.u32 s24, $0x2;
	s28 =	sand.u32 $0x6, s25  }
0x5c: {  	s29 =	sadd.s32 s7, s26;
	s28 =	smul.u32 $0x1880, s28  }
0x5d: {  	s29 =	smul.u32 $0xC400, s29;
	_ =	sdelay $0x1  }
0x5e: {  	s28 =	sadd.s32 s29, s28  }
0x5f: {  	s28 =	sshrl.u32 s28, $0x3  }
0x60: {  	s29 =	sand.u32 $0x3, s23;
	s28 =	sadd.s32 s3, s28  }
0x61: {  	s29 =	smul.u32 $0xC400, s29;
	s28 =	sadd.s32 $0x310, s28  }
0x62: {  	[tilespmem:s16], [sflag:$0x2] =	stream.linear.gather [hbm4b:s28+s2], $0x1880, $0x38;
	[tilespmem:$0x19500] =	vst v63  }
0x63: {  	_ =	swait.ge [sflag:s17], $0x1880  }
0x64: {  	s29 =	sshrl.u32 s29, $0x2;
	[sflag:s17] =	ssyncset.done $0x0  }
0x65: {  	s30 =	sor.u32 $0x40, s29;
	[sflag:s17] =	ssyncadd.s32 $0xFFFFE780  }
0x66: {  	v6 =	vld [tilespmem:s30+$0x30]  }
0x67: {  	v7 =	vld [tilespmem:s30+$0xFFFFFFD0]  }
0x68: {  	v8 =	vld [tilespmem:s30+$0xFFFFFFE0]  }
0x69: {  	v9 =	vld [tilespmem:s30+$0xFFFFFFF0]  }
0x6a: {  	v10 =	vld [tilespmem:s30+$0x0]  }
0x6b: {  	v14 =	vld [tilespmem:s30+$0xFFFFFFC0]  }
0x6c: {  	s26 =	smul.u32 $0x14, s26;
	v11 =	vld [tilespmem:s30+$0x10]  }
0x6d: {  	s28 =	simm.s32 $0xC440;
	v12 =	vld [tilespmem:s30+$0x20]  }
0x6e: {  	v5 =	vmov s26;
	v13 =	vld [tilespmem:s28+$0x30]  }
0x6f: {  	v15 =	vld [tilespmem:s28+$0xFFFFFFC0];
	v6 =	vadd.s32 v5, v6;
	v7 =	vadd.s32 v5, v7  }
0x70: {  	v16 =	vld [tilespmem:s28+$0xFFFFFFD0];
	v9 =	vadd.s32 v5, v9;
	v61 =	vadd.s32 v5, v14;
	v6 =	vshll.u32 v6, $0x4  }
0x71: {  	v17 =	vld [tilespmem:s28+$0xFFFFFFE0];
	v10 =	vadd.s32 v5, v10;
	v7 =	vshll.u32 v7, $0x4;
	v6 =	vor.u32 v3, v6  }
0x72: {  	v62 =	vld [tilespmem:s28+$0xFFFFFFF0];
	v60 =	vshll.u32 v9, $0x4;
	v9 =	vshll.u32 v61, $0x4;
	v7 =	vor.u32 v3, v7  }
0x73: {  	v63 =	vld [tilespmem:s28+$0x0];
	v11 =	vadd.s32 v5, v11;
	v10 =	vshll.u32 v10, $0x4;
	v9 =	vor.u32 v3, v9  }
0x74: {  	v18 =	vld [tilespmem:s28+$0x10];
	v8 =	vadd.s32 v5, v8;
	v11 =	vshll.u32 v11, $0x4;
	v10 =	vor.u32 v3, v10  }
0x75: {  	v19 =	vld [tilespmem:s28+$0x20];
	v8 =	vshll.u32 v8, $0x4;
	v11 =	vor.u32 v3, v11  }
0x76: {  	v12 =	vadd.s32 v5, v12;
	[tilespmem:v6+s18+$0x0] =	vst.idx.add.f32.msk $0xffff, v13;
	v6 =	vor.u32 v3, v8  }
0x77: {  	v12 =	vshll.u32 v12, $0x4;
	v8 =	vor.u32 v3, v60;
	[tilespmem:v7+s18+$0x0] =	vst.idx.add.f32.msk $0xffff, v16  }
0x78: {  	v7 =	vor.u32 v3, v12;
	[tilespmem:v9+s18+$0x0] =	vst.idx.add.f32.msk $0xffff, v15  }
0x79: {  	[tilespmem:v10+s18+$0x0] =	vst.idx.add.f32.msk $0xffff, v63  }
0x7a: {  	[tilespmem:v11+s18+$0x0] =	vst.idx.add.f32.msk $0xffff, v18  }
0x7b: {  	[tilespmem:v6+s18+$0x0] =	vst.idx.add.f32.msk $0xffff, v17  }
0x7c: {  	[tilespmem:v8+s18+$0x0] =	vst.idx.add.f32.msk $0xffff, v62  }
0x7d: {  	s26 =	sadd.s32 $0x18F0, s29;
	s29 =	simm.s32 $0x0;
	s30 =	sadd.s32 $0x80, s30;
	[tilespmem:v7+s18+$0x0] =	vst.idx.add.f32.msk $0xffff, v19  }
.LBB2_7:
0x7e: {  	v6 =	vld [tilespmem:s30+$0x30];
	s29 =	sadd.s32 $0x8, s29  }
0x7f: {  	v7 =	vld [tilespmem:s30+$0xFFFFFFD0];
	p0 =	slt.u32 s29, $0x180  }
0x80: {  	v8 =	vld [tilespmem:s30+$0xFFFFFFE0]  }
0x81: {  	v9 =	vld [tilespmem:s30+$0xFFFFFFF0]  }
0x82: {  	v10 =	vld [tilespmem:s30+$0x0]  }
0x83: {  	v11 =	vld [tilespmem:s30+$0x10];
	v6 =	vadd.s32 v5, v6  }
0x84: {  	s28 =	sadd.s32 $0x80, s28;
	v7 =	vadd.s32 v5, v7;
	v12 =	vld [tilespmem:s30+$0x20];
	v6 =	vshll.u32 v6, $0x4  }
0x85: {  	v7 =	vshll.u32 v7, $0x4;
	v8 =	vadd.s32 v5, v8;
	v13 =	vld [tilespmem:s28+$0x30];
	v6 =	vor.u32 v3, v6  }
0x86: {  	v14 =	vld [tilespmem:s30+$0xFFFFFFC0];
	v7 =	vor.u32 v3, v7;
	v8 =	vshll.u32 v8, $0x4;
	v9 =	vadd.s32 v5, v9  }
0x87: {  	v15 =	vld [tilespmem:s28+$0xFFFFFFC0];
	v8 =	vor.u32 v3, v8;
	v9 =	vshll.u32 v9, $0x4;
	v10 =	vadd.s32 v5, v10  }
0x88: {  	v16 =	vld [tilespmem:s28+$0xFFFFFFD0];
	v9 =	vor.u32 v3, v9;
	v10 =	vshll.u32 v10, $0x4;
	v11 =	vadd.s32 v5, v11  }
0x89: {  	v17 =	vld [tilespmem:s28+$0xFFFFFFE0];
	v10 =	vor.u32 v3, v10;
	v11 =	vshll.u32 v11, $0x4;
	v12 =	vadd.s32 v5, v12  }
0x8a: {  	v11 =	vor.u32 v3, v11;
	v12 =	vshll.u32 v12, $0x4;
	[tilespmem:v6+s18+$0x0] =	vst.idx.add.f32.msk $0xffff, v13  }
0x8b: {  	v6 =	vadd.s32 v5, v14;
	v13 =	vld [tilespmem:s28+$0xFFFFFFF0];
	v12 =	vor.u32 v3, v12  }
0x8c: {  	v6 =	vshll.u32 v6, $0x4;
	v14 =	vld [tilespmem:s28+$0x0]  }
0x8d: {  	v6 =	vor.u32 v3, v6;
	v18 =	vld [tilespmem:s28+$0x10]  }
0x8e: {  	v19 =	vld [tilespmem:s28+$0x20]  }
0x8f: {  	[tilespmem:v7+s18+$0x0] =	vst.idx.add.f32.msk $0xffff, v16  }
0x90: {  	[tilespmem:v8+s18+$0x0] =	vst.idx.add.f32.msk $0xffff, v17  }
.Ltmp2:
0x91: {  	[tilespmem:v9+s18+$0x0] =	vst.idx.add.f32.msk $0xffff, v13;
	(pc) =	sbr.rel @p0 .LBB2_7-.Ltmp2, $4  }
0x92: {  	[tilespmem:v6+s18+$0x0] =	vst.idx.add.f32.msk $0xffff, v15  }
0x93: {  	[tilespmem:v10+s18+$0x0] =	vst.idx.add.f32.msk $0xffff, v14  }
0x94: {  	[tilespmem:v11+s18+$0x0] =	vst.idx.add.f32.msk $0xffff, v18  }
0x95: {  	s30 =	sadd.s32 $0x80, s30;
	[tilespmem:v12+s18+$0x0] =	vst.idx.add.f32.msk $0xffff, v19  }
0x96: {  	p0 =	seq.s32 s24, $0x7F  }
0x97: {  	s25 =	sadd.s32 @!p0 $0x2, s25  }
0x98: {  	s28 =	sshrl.u32 @!p0 s25, $0x3;
	s25 =	sand.u32 @!p0 $0x6, s25  }
0x99: {  	s28 =	sadd.s32 @!p0 s7, s28;
	s25 =	smul.u32 @!p0 $0x1880, s25  }
0x9a: {  	s28 =	smul.u32 @!p0 $0xC400, s28;
	_ =	sdelay $0x1  }
0x9b: {  	s25 =	sadd.s32 @!p0 s25, s28  }
0x9c: {  	s25 =	sshrl.u32 @!p0 s25, $0x3  }
0x9d: {  	s29 =	simm.s32 @!p0 $0xC400;
	s28 =	simm.s32 @!p0 $0x0;
	s25 =	sadd.s32 @!p0 s3, s25  }
0x9e: {  	[tilespmem:s29], [sflag:$0x1] =	stream.linear.gather @!p0 [hbm4b:s25+s28], $0x1880, $0x38;
	[tilespmem:$0x19500] =	vst v63  }
0x9f: {  	_ =	swait.ge [sflag:s19], $0x1880  }
0xa0: {  	[sflag:s19] =	ssyncset.done $0x0  }
0xa1: {  	[sflag:s19] =	ssyncadd.s32 $0xFFFFE780  }
0xa2: {  	v6 =	vld [tilespmem:s26+$0x0]  }
0xa3: {  	v7 =	vld [tilespmem:s26+$0xFFFFFFA0]  }
0xa4: {  	v8 =	vld [tilespmem:s26+$0xFFFFFFB0]  }
0xa5: {  	v9 =	vld [tilespmem:s26+$0xFFFFFFC0]  }
0xa6: {  	v10 =	vld [tilespmem:s26+$0xFFFFFFD0]  }
0xa7: {  	v14 =	vld [tilespmem:s26+$0xFFFFFF90]  }
0xa8: {  	v11 =	vld [tilespmem:s26+$0xFFFFFFE0]  }
0xa9: {  	s25 =	simm.s32 $0xDCC0;
	v12 =	vld [tilespmem:s26+$0xFFFFFFF0]  }
0xaa: {  	v13 =	vld [tilespmem:s25+$0x30]  }
0xab: {  	v15 =	vld [tilespmem:s25+$0xFFFFFFC0];
	v6 =	vadd.s32 v5, v6;
	v7 =	vadd.s32 v5, v7  }
0xac: {  	v16 =	vld [tilespmem:s25+$0xFFFFFFD0];
	v9 =	vadd.s32 v5, v9;
	v61 =	vadd.s32 v5, v14;
	v6 =	vshll.u32 v6, $0x4  }
0xad: {  	v17 =	vld [tilespmem:s25+$0xFFFFFFE0];
	v10 =	vadd.s32 v5, v10;
	v7 =	vshll.u32 v7, $0x4;
	v6 =	vor.u32 v3, v6  }
0xae: {  	v62 =	vld [tilespmem:s25+$0xFFFFFFF0];
	v60 =	vshll.u32 v9, $0x4;
	v9 =	vshll.u32 v61, $0x4;
	v7 =	vor.u32 v3, v7  }
0xaf: {  	v63 =	vld [tilespmem:s25+$0x0];
	v11 =	vadd.s32 v5, v11;
	v10 =	vshll.u32 v10, $0x4;
	v9 =	vor.u32 v3, v9  }
0xb0: {  	v18 =	vld [tilespmem:s25+$0x10];
	v8 =	vadd.s32 v5, v8;
	v11 =	vshll.u32 v11, $0x4;
	v10 =	vor.u32 v3, v10  }
0xb1: {  	v19 =	vld [tilespmem:s25+$0x20];
	v8 =	vshll.u32 v8, $0x4;
	v11 =	vor.u32 v3, v11  }
0xb2: {  	v12 =	vadd.s32 v5, v12;
	[tilespmem:v6+s18+$0x0] =	vst.idx.add.f32.msk $0xffff, v13;
	v6 =	vor.u32 v3, v8  }
0xb3: {  	v12 =	vshll.u32 v12, $0x4;
	v8 =	vor.u32 v3, v60;
	[tilespmem:v7+s18+$0x0] =	vst.idx.add.f32.msk $0xffff, v16  }
0xb4: {  	v7 =	vor.u32 v3, v12;
	[tilespmem:v9+s18+$0x0] =	vst.idx.add.f32.msk $0xffff, v15  }
0xb5: {  	[tilespmem:v10+s18+$0x0] =	vst.idx.add.f32.msk $0xffff, v63  }
0xb6: {  	[tilespmem:v11+s18+$0x0] =	vst.idx.add.f32.msk $0xffff, v18  }
0xb7: {  	[tilespmem:v6+s18+$0x0] =	vst.idx.add.f32.msk $0xffff, v17  }
0xb8: {  	[tilespmem:v8+s18+$0x0] =	vst.idx.add.f32.msk $0xffff, v62  }
0xb9: {  	s28 =	simm.s32 $0x0;
	s26 =	sadd.s32 $0x80, s26;
	[tilespmem:v7+s18+$0x0] =	vst.idx.add.f32.msk $0xffff, v19  }
.LBB2_9:
0xba: {  	v6 =	vld [tilespmem:s26+$0x0];
	s28 =	sadd.s32 $0x8, s28  }
0xbb: {  	v7 =	vld [tilespmem:s26+$0xFFFFFFA0];
	p0 =	slt.u32 s28, $0x180  }
0xbc: {  	v8 =	vld [tilespmem:s26+$0xFFFFFFB0]  }
0xbd: {  	v9 =	vld [tilespmem:s26+$0xFFFFFFC0]  }
0xbe: {  	v10 =	vld [tilespmem:s26+$0xFFFFFFD0]  }
0xbf: {  	v11 =	vld [tilespmem:s26+$0xFFFFFFE0];
	v6 =	vadd.s32 v5, v6  }
0xc0: {  	s25 =	sadd.s32 $0x80, s25;
	v7 =	vadd.s32 v5, v7;
	v12 =	vld [tilespmem:s26+$0xFFFFFFF0];
	v6 =	vshll.u32 v6, $0x4  }
0xc1: {  	v7 =	vshll.u32 v7, $0x4;
	v8 =	vadd.s32 v5, v8;
	v13 =	vld [tilespmem:s25+$0x30];
	v6 =	vor.u32 v3, v6  }
0xc2: {  	v14 =	vld [tilespmem:s26+$0xFFFFFF90];
	v7 =	vor.u32 v3, v7;
	v8 =	vshll.u32 v8, $0x4;
	v9 =	vadd.s32 v5, v9  }
0xc3: {  	v15 =	vld [tilespmem:s25+$0xFFFFFFC0];
	v8 =	vor.u32 v3, v8;
	v9 =	vshll.u32 v9, $0x4;
	v10 =	vadd.s32 v5, v10  }
0xc4: {  	v16 =	vld [tilespmem:s25+$0xFFFFFFD0];
	v9 =	vor.u32 v3, v9;
	v10 =	vshll.u32 v10, $0x4;
	v11 =	vadd.s32 v5, v11  }
0xc5: {  	v17 =	vld [tilespmem:s25+$0xFFFFFFE0];
	v10 =	vor.u32 v3, v10;
	v11 =	vshll.u32 v11, $0x4;
	v12 =	vadd.s32 v5, v12  }
0xc6: {  	v11 =	vor.u32 v3, v11;
	v12 =	vshll.u32 v12, $0x4;
	[tilespmem:v6+s18+$0x0] =	vst.idx.add.f32.msk $0xffff, v13  }
0xc7: {  	v6 =	vadd.s32 v5, v14;
	v13 =	vld [tilespmem:s25+$0xFFFFFFF0];
	v12 =	vor.u32 v3, v12  }
0xc8: {  	v6 =	vshll.u32 v6, $0x4;
	v14 =	vld [tilespmem:s25+$0x0]  }
0xc9: {  	v6 =	vor.u32 v3, v6;
	v18 =	vld [tilespmem:s25+$0x10]  }
0xca: {  	v19 =	vld [tilespmem:s25+$0x20]  }
0xcb: {  	[tilespmem:v7+s18+$0x0] =	vst.idx.add.f32.msk $0xffff, v16  }
0xcc: {  	[tilespmem:v8+s18+$0x0] =	vst.idx.add.f32.msk $0xffff, v17  }
.Ltmp3:
0xcd: {  	[tilespmem:v9+s18+$0x0] =	vst.idx.add.f32.msk $0xffff, v13;
	(pc) =	sbr.rel @p0 .LBB2_9-.Ltmp3, $4  }
0xce: {  	[tilespmem:v6+s18+$0x0] =	vst.idx.add.f32.msk $0xffff, v15  }
0xcf: {  	[tilespmem:v10+s18+$0x0] =	vst.idx.add.f32.msk $0xffff, v14  }
0xd0: {  	[tilespmem:v11+s18+$0x0] =	vst.idx.add.f32.msk $0xffff, v18  }
0xd1: {  	s26 =	sadd.s32 $0x80, s26;
	[tilespmem:v12+s18+$0x0] =	vst.idx.add.f32.msk $0xffff, v19  }
0xd2: {  	s24 =	sadd.s32 $0x1, s24  }
0xd3: {  	p0 =	sne.s32 s24, $0x80  }
.Ltmp4:
0xd4: {  	_ = 	snop;
	(pc) =	sbr.rel @p0 .LBB2_6-.Ltmp4, $2  }
0xd5: {  	_ =	sdelay $0x2  }
0xd6: {  	s23 =	sadd.s32 $0x1, s23  }
0xd7: {  	[tilespmem:s2], [sflag:$0x3] =	stream.linear.gather [hbm4b:s8+s2], $0xC400, $0x38;
	[tilespmem:$0x19500] =	vst v63  }
0xd8: {  	_ =	swait.ge [sflag:s13], $0xC400  }
0xd9: {  	[sflag:s13] =	ssyncset.done $0x0  }
0xda: {  	s23 =	simm.s32 $0x40;
	[sflag:s13] =	ssyncadd.s32 $0xFFFF3C00  }
0xdb: {  	[tilespmem:s14], [sflag:$0x1] =	stream.linear.gather [hbm4b:s9+s2], $0x1880, $0x38;
	[tilespmem:$0x19500] =	vst v63  }
0xdc: {  	v5 =	vld [tilespmem:s23+$0x30]  }
0xdd: {  	v6 =	vld [tilespmem:s23+$0xFFFFFFD0]  }
0xde: {  	v7 =	vld [tilespmem:s23+$0xFFFFFFE0]  }
0xdf: {  	v8 =	vld [tilespmem:s23+$0xFFFFFFF0];
	_ =	sdelay $0x1  }
0xe0: {  	v9 =	vld [tilespmem:s23+$0x0];
	v5 =	vadd.s32 v1, v5  }
0xe1: {  	v10 =	vld [tilespmem:s23+$0x10];
	v6 =	vadd.s32 v1, v6;
	v5 =	vshll.u32 v5, $0x4  }
0xe2: {  	v11 =	vld [tilespmem:s23+$0x20];
	v7 =	vadd.s32 v1, v7;
	v6 =	vshll.u32 v6, $0x4;
	v12 =	vor.u32 v3, v5  }
0xe3: {  	v13 =	vld [tilespmem:s23+$0xFFFFFFC0];
	v6 =	vor.u32 v3, v6;
	v5 =	vshll.u32 v7, $0x4;
	v7 =	vadd.s32 v1, v8  }
0xe4: {  	v8 =	vor.u32 v3, v5;
	v5 =	vshll.u32 v7, $0x4  }
0xe5: {  	v7 =	vadd.s32 v1, v9;
	v9 =	vor.u32 v3, v5;
	_ =	sdelay $0x1  }
0xe6: {  	v5 =	vshll.u32 v7, $0x4;
	v7 =	vadd.s32 v1, v10;
	v10 =	vadd.s32 v1, v11;
	[tilespmem:v12+s15+$0x0] =	vst.idx.add.f32.msk $0xffff, v4  }
0xe7: {  	v11 =	vadd.s32 v1, v13;
	v5 =	vor.u32 v3, v5;
	v7 =	vshll.u32 v7, $0x4;
	[tilespmem:v6+s15+$0x0] =	vst.idx.add.f32.msk $0xffff, v4  }
0xe8: {  	v6 =	vor.u32 v3, v7;
	v7 =	vshll.u32 v10, $0x4;
	v10 =	vshll.u32 v11, $0x4;
	[tilespmem:v8+s15+$0x0] =	vst.idx.add.f32.msk $0xffff, v4  }
0xe9: {  	s24 =	simm.s32 $0x0;
	s25 =	simm.s32 $0xC0;
	v7 =	vor.u32 v3, v7;
	v8 =	vor.u32 v3, v10;
	[tilespmem:v9+s15+$0x0] =	vst.idx.add.f32.msk $0xffff, v4  }
.LBB2_12:
0xea: {  	v9 =	vld [tilespmem:s25+$0x30];
	s24 =	sadd.s32 $0x8, s24  }
0xeb: {  	v10 =	vld [tilespmem:s25+$0xFFFFFFD0];
	p0 =	slt.u32 s24, $0xC38  }
0xec: {  	v11 =	vld [tilespmem:s25+$0xFFFFFFE0]  }
0xed: {  	v12 =	vld [tilespmem:s25+$0xFFFFFFF0]  }
0xee: {  	v13 =	vld [tilespmem:s25+$0x0]  }
0xef: {  	v14 =	vld [tilespmem:s25+$0x10];
	v9 =	vadd.s32 v1, v9  }
0xf0: {  	v10 =	vadd.s32 v1, v10;
	v15 =	vld [tilespmem:s25+$0x20];
	v9 =	vshll.u32 v9, $0x4  }
0xf1: {  	v16 =	vld [tilespmem:s25+$0xFFFFFFC0];
	v10 =	vshll.u32 v10, $0x4;
	v11 =	vadd.s32 v1, v11;
	v9 =	vor.u32 v3, v9  }
0xf2: {  	v10 =	vor.u32 v3, v10;
	v11 =	vshll.u32 v11, $0x4;
	v12 =	vadd.s32 v1, v12;
	[tilespmem:v8+s15+$0x0] =	vst.idx.add.f32.msk $0xffff, v4  }
0xf3: {  	v11 =	vor.u32 v3, v11;
	v8 =	vshll.u32 v12, $0x4;
	v12 =	vadd.s32 v1, v13;
	[tilespmem:v5+s15+$0x0] =	vst.idx.add.f32.msk $0xffff, v4  }
0xf4: {  	v13 =	vor.u32 v3, v8;
	v5 =	vshll.u32 v12, $0x4;
	v8 =	vadd.s32 v1, v14;
	[tilespmem:v6+s15+$0x0] =	vst.idx.add.f32.msk $0xffff, v4  }
.Ltmp5:
0xf5: {  	v5 =	vor.u32 v3, v5;
	v6 =	vshll.u32 v8, $0x4;
	v8 =	vadd.s32 v1, v15;
	[tilespmem:v7+s15+$0x0] =	vst.idx.add.f32.msk $0xffff, v4;
	(pc) =	sbr.rel @p0 .LBB2_12-.Ltmp5, $4  }
0xf6: {  	s23 =	simm.s32 $0x0;
	v7 =	vadd.s32 v1, v16;
	v6 =	vor.u32 v3, v6;
	v8 =	vshll.u32 v8, $0x4;
	[tilespmem:v9+s15+$0x0] =	vst.idx.add.f32.msk $0xffff, v4  }
0xf7: {  	v9 =	vshll.u32 v7, $0x4;
	[tilespmem:v10+s15+$0x0] =	vst.idx.add.f32.msk $0xffff, v4;
	v7 =	vor.u32 v3, v8  }
0xf8: {  	v8 =	vor.u32 v3, v9;
	[tilespmem:v11+s15+$0x0] =	vst.idx.add.f32.msk $0xffff, v4  }
0xf9: {  	s25 =	sadd.s32 $0x80, s25;
	[tilespmem:v13+s15+$0x0] =	vst.idx.add.f32.msk $0xffff, v4  }
0xfa: {  	_ =	sdelay $0x3  }
0xfb: {  	[tilespmem:v8+s15+$0x0] =	vst.idx.add.f32.msk $0xffff, v4  }
0xfc: {  	[tilespmem:v5+s15+$0x0] =	vst.idx.add.f32.msk $0xffff, v4  }
0xfd: {  	[tilespmem:v6+s15+$0x0] =	vst.idx.add.f32.msk $0xffff, v4  }
0xfe: {  	[tilespmem:v7+s15+$0x0] =	vst.idx.add.f32.msk $0xffff, v4;
	s24 =	simm.s32 $0x0  }
.LBB2_14:
0xff: {  	s25 =	sshll.u32 s24, $0x1  }
0x100: {  	s26 =	sshrl.u32 s24, $0x2;
	s28 =	sand.u32 $0x6, s25  }
0x101: {  	s29 =	sadd.s32 s7, s26;
	s28 =	smul.u32 $0x1880, s28  }
0x102: {  	s29 =	smul.u32 $0xC400, s29;
	_ =	sdelay $0x1  }
0x103: {  	s28 =	sadd.s32 s29, s28  }
0x104: {  	s28 =	sshrl.u32 s28, $0x3  }
0x105: {  	s29 =	sand.u32 $0x3, s23;
	s28 =	sadd.s32 s4, s28  }
0x106: {  	s29 =	smul.u32 $0xC400, s29;
	s28 =	sadd.s32 $0x310, s28  }
0x107: {  	[tilespmem:s16], [sflag:$0x2] =	stream.linear.gather [hbm4b:s28+s2], $0x1880, $0x38;
	[tilespmem:$0x19500] =	vst v63  }
0x108: {  	_ =	swait.ge [sflag:s17], $0x1880  }
0x109: {  	s29 =	sshrl.u32 s29, $0x2;
	[sflag:s17] =	ssyncset.done $0x0  }
0x10a: {  	s30 =	sor.u32 $0x40, s29;
	[sflag:s17] =	ssyncadd.s32 $0xFFFFE780  }
0x10b: {  	v6 =	vld [tilespmem:s30+$0x30]  }
0x10c: {  	v7 =	vld [tilespmem:s30+$0xFFFFFFD0]  }
0x10d: {  	v8 =	vld [tilespmem:s30+$0xFFFFFFE0]  }
0x10e: {  	v9 =	vld [tilespmem:s30+$0xFFFFFFF0]  }
0x10f: {  	v10 =	vld [tilespmem:s30+$0x0]  }
0x110: {  	s26 =	smul.u32 $0x14, s26;
	v14 =	vld [tilespmem:s30+$0xFFFFFFC0]  }
0x111: {  	v11 =	vld [tilespmem:s30+$0x10]  }
0x112: {  	s26 =	sadd.s32 $0x280, s26;
	s28 =	simm.s32 $0xC440;
	v12 =	vld [tilespmem:s30+$0x20]  }
0x113: {  	v5 =	vmov s26;
	v13 =	vld [tilespmem:s28+$0x30]  }
0x114: {  	v15 =	vld [tilespmem:s28+$0xFFFFFFC0];
	v6 =	vadd.s32 v5, v6;
	v7 =	vadd.s32 v5, v7  }
0x115: {  	v16 =	vld [tilespmem:s28+$0xFFFFFFD0];
	v9 =	vadd.s32 v5, v9;
	v61 =	vadd.s32 v5, v14;
	v6 =	vshll.u32 v6, $0x4  }
0x116: {  	v17 =	vld [tilespmem:s28+$0xFFFFFFE0];
	v10 =	vadd.s32 v5, v10;
	v7 =	vshll.u32 v7, $0x4;
	v6 =	vor.u32 v3, v6  }
0x117: {  	v62 =	vld [tilespmem:s28+$0xFFFFFFF0];
	v60 =	vshll.u32 v9, $0x4;
	v9 =	vshll.u32 v61, $0x4;
	v7 =	vor.u32 v3, v7  }
0x118: {  	v63 =	vld [tilespmem:s28+$0x0];
	v11 =	vadd.s32 v5, v11;
	v10 =	vshll.u32 v10, $0x4;
	v9 =	vor.u32 v3, v9  }
0x119: {  	v18 =	vld [tilespmem:s28+$0x10];
	v8 =	vadd.s32 v5, v8;
	v11 =	vshll.u32 v11, $0x4;
	v10 =	vor.u32 v3, v10  }
0x11a: {  	v19 =	vld [tilespmem:s28+$0x20];
	v8 =	vshll.u32 v8, $0x4;
	v11 =	vor.u32 v3, v11  }
0x11b: {  	v12 =	vadd.s32 v5, v12;
	[tilespmem:v6+s18+$0x0] =	vst.idx.add.f32.msk $0xffff, v13;
	v6 =	vor.u32 v3, v8  }
0x11c: {  	v12 =	vshll.u32 v12, $0x4;
	v8 =	vor.u32 v3, v60;
	[tilespmem:v7+s18+$0x0] =	vst.idx.add.f32.msk $0xffff, v16  }
0x11d: {  	v7 =	vor.u32 v3, v12;
	[tilespmem:v9+s18+$0x0] =	vst.idx.add.f32.msk $0xffff, v15  }
0x11e: {  	[tilespmem:v10+s18+$0x0] =	vst.idx.add.f32.msk $0xffff, v63  }
0x11f: {  	[tilespmem:v11+s18+$0x0] =	vst.idx.add.f32.msk $0xffff, v18  }
0x120: {  	[tilespmem:v6+s18+$0x0] =	vst.idx.add.f32.msk $0xffff, v17  }
0x121: {  	[tilespmem:v8+s18+$0x0] =	vst.idx.add.f32.msk $0xffff, v62  }
0x122: {  	s26 =	sadd.s32 $0x18F0, s29;
	s29 =	simm.s32 $0x0;
	s30 =	sadd.s32 $0x80, s30;
	[tilespmem:v7+s18+$0x0] =	vst.idx.add.f32.msk $0xffff, v19  }
.LBB2_15:
0x123: {  	v6 =	vld [tilespmem:s30+$0x30];
	s29 =	sadd.s32 $0x8, s29  }
0x124: {  	v7 =	vld [tilespmem:s30+$0xFFFFFFD0];
	p0 =	slt.u32 s29, $0x180  }
0x125: {  	v8 =	vld [tilespmem:s30+$0xFFFFFFE0]  }
0x126: {  	v9 =	vld [tilespmem:s30+$0xFFFFFFF0]  }
0x127: {  	v10 =	vld [tilespmem:s30+$0x0]  }
0x128: {  	v11 =	vld [tilespmem:s30+$0x10];
	v6 =	vadd.s32 v5, v6  }
0x129: {  	s28 =	sadd.s32 $0x80, s28;
	v7 =	vadd.s32 v5, v7;
	v12 =	vld [tilespmem:s30+$0x20];
	v6 =	vshll.u32 v6, $0x4  }
0x12a: {  	v7 =	vshll.u32 v7, $0x4;
	v8 =	vadd.s32 v5, v8;
	v13 =	vld [tilespmem:s28+$0x30];
	v6 =	vor.u32 v3, v6  }
0x12b: {  	v14 =	vld [tilespmem:s30+$0xFFFFFFC0];
	v7 =	vor.u32 v3, v7;
	v8 =	vshll.u32 v8, $0x4;
	v9 =	vadd.s32 v5, v9  }
0x12c: {  	v15 =	vld [tilespmem:s28+$0xFFFFFFC0];
	v8 =	vor.u32 v3, v8;
	v9 =	vshll.u32 v9, $0x4;
	v10 =	vadd.s32 v5, v10  }
0x12d: {  	v16 =	vld [tilespmem:s28+$0xFFFFFFD0];
	v9 =	vor.u32 v3, v9;
	v10 =	vshll.u32 v10, $0x4;
	v11 =	vadd.s32 v5, v11  }
0x12e: {  	v17 =	vld [tilespmem:s28+$0xFFFFFFE0];
	v10 =	vor.u32 v3, v10;
	v11 =	vshll.u32 v11, $0x4;
	v12 =	vadd.s32 v5, v12  }
0x12f: {  	v11 =	vor.u32 v3, v11;
	v12 =	vshll.u32 v12, $0x4;
	[tilespmem:v6+s18+$0x0] =	vst.idx.add.f32.msk $0xffff, v13  }
0x130: {  	v6 =	vadd.s32 v5, v14;
	v13 =	vld [tilespmem:s28+$0xFFFFFFF0];
	v12 =	vor.u32 v3, v12  }
0x131: {  	v6 =	vshll.u32 v6, $0x4;
	v14 =	vld [tilespmem:s28+$0x0]  }
0x132: {  	v6 =	vor.u32 v3, v6;
	v18 =	vld [tilespmem:s28+$0x10]  }
0x133: {  	v19 =	vld [tilespmem:s28+$0x20]  }
0x134: {  	[tilespmem:v7+s18+$0x0] =	vst.idx.add.f32.msk $0xffff, v16  }
0x135: {  	[tilespmem:v8+s18+$0x0] =	vst.idx.add.f32.msk $0xffff, v17  }
.Ltmp6:
0x136: {  	[tilespmem:v9+s18+$0x0] =	vst.idx.add.f32.msk $0xffff, v13;
	(pc) =	sbr.rel @p0 .LBB2_15-.Ltmp6, $4  }
0x137: {  	[tilespmem:v6+s18+$0x0] =	vst.idx.add.f32.msk $0xffff, v15  }
0x138: {  	[tilespmem:v10+s18+$0x0] =	vst.idx.add.f32.msk $0xffff, v14  }
0x139: {  	[tilespmem:v11+s18+$0x0] =	vst.idx.add.f32.msk $0xffff, v18  }
0x13a: {  	s30 =	sadd.s32 $0x80, s30;
	[tilespmem:v12+s18+$0x0] =	vst.idx.add.f32.msk $0xffff, v19  }
0x13b: {  	p0 =	seq.s32 s24, $0x7F  }
0x13c: {  	s25 =	sadd.s32 @!p0 $0x2, s25  }
0x13d: {  	s28 =	sshrl.u32 @!p0 s25, $0x3;
	s25 =	sand.u32 @!p0 $0x6, s25  }
0x13e: {  	s28 =	sadd.s32 @!p0 s7, s28;
	s25 =	smul.u32 @!p0 $0x1880, s25  }
0x13f: {  	s28 =	smul.u32 @!p0 $0xC400, s28;
	_ =	sdelay $0x1  }
0x140: {  	s25 =	sadd.s32 @!p0 s25, s28  }
0x141: {  	s25 =	sshrl.u32 @!p0 s25, $0x3  }
0x142: {  	s29 =	simm.s32 @!p0 $0xC400;
	s28 =	simm.s32 @!p0 $0x0;
	s25 =	sadd.s32 @!p0 s4, s25  }
0x143: {  	[tilespmem:s29], [sflag:$0x1] =	stream.linear.gather @!p0 [hbm4b:s25+s28], $0x1880, $0x38;
	[tilespmem:$0x19500] =	vst v63  }
0x144: {  	_ =	swait.ge [sflag:s19], $0x1880  }
0x145: {  	[sflag:s19] =	ssyncset.done $0x0  }
0x146: {  	[sflag:s19] =	ssyncadd.s32 $0xFFFFE780  }
0x147: {  	v6 =	vld [tilespmem:s26+$0x0]  }
0x148: {  	v7 =	vld [tilespmem:s26+$0xFFFFFFA0]  }
0x149: {  	v8 =	vld [tilespmem:s26+$0xFFFFFFB0]  }
0x14a: {  	v9 =	vld [tilespmem:s26+$0xFFFFFFC0]  }
0x14b: {  	v10 =	vld [tilespmem:s26+$0xFFFFFFD0]  }
0x14c: {  	v14 =	vld [tilespmem:s26+$0xFFFFFF90]  }
0x14d: {  	v11 =	vld [tilespmem:s26+$0xFFFFFFE0]  }
0x14e: {  	s25 =	simm.s32 $0xDCC0;
	v12 =	vld [tilespmem:s26+$0xFFFFFFF0]  }
0x14f: {  	v13 =	vld [tilespmem:s25+$0x30]  }
0x150: {  	v15 =	vld [tilespmem:s25+$0xFFFFFFC0];
	v6 =	vadd.s32 v5, v6;
	v7 =	vadd.s32 v5, v7  }
0x151: {  	v16 =	vld [tilespmem:s25+$0xFFFFFFD0];
	v9 =	vadd.s32 v5, v9;
	v61 =	vadd.s32 v5, v14;
	v6 =	vshll.u32 v6, $0x4  }
0x152: {  	v17 =	vld [tilespmem:s25+$0xFFFFFFE0];
	v10 =	vadd.s32 v5, v10;
	v7 =	vshll.u32 v7, $0x4;
	v6 =	vor.u32 v3, v6  }
0x153: {  	v62 =	vld [tilespmem:s25+$0xFFFFFFF0];
	v60 =	vshll.u32 v9, $0x4;
	v9 =	vshll.u32 v61, $0x4;
	v7 =	vor.u32 v3, v7  }
0x154: {  	v63 =	vld [tilespmem:s25+$0x0];
	v11 =	vadd.s32 v5, v11;
	v10 =	vshll.u32 v10, $0x4;
	v9 =	vor.u32 v3, v9  }
0x155: {  	v18 =	vld [tilespmem:s25+$0x10];
	v8 =	vadd.s32 v5, v8;
	v11 =	vshll.u32 v11, $0x4;
	v10 =	vor.u32 v3, v10  }
0x156: {  	v19 =	vld [tilespmem:s25+$0x20];
	v8 =	vshll.u32 v8, $0x4;
	v11 =	vor.u32 v3, v11  }
0x157: {  	v12 =	vadd.s32 v5, v12;
	[tilespmem:v6+s18+$0x0] =	vst.idx.add.f32.msk $0xffff, v13;
	v6 =	vor.u32 v3, v8  }
0x158: {  	v12 =	vshll.u32 v12, $0x4;
	v8 =	vor.u32 v3, v60;
	[tilespmem:v7+s18+$0x0] =	vst.idx.add.f32.msk $0xffff, v16  }
0x159: {  	v7 =	vor.u32 v3, v12;
	[tilespmem:v9+s18+$0x0] =	vst.idx.add.f32.msk $0xffff, v15  }
0x15a: {  	[tilespmem:v10+s18+$0x0] =	vst.idx.add.f32.msk $0xffff, v63  }
0x15b: {  	[tilespmem:v11+s18+$0x0] =	vst.idx.add.f32.msk $0xffff, v18  }
0x15c: {  	[tilespmem:v6+s18+$0x0] =	vst.idx.add.f32.msk $0xffff, v17  }
0x15d: {  	[tilespmem:v8+s18+$0x0] =	vst.idx.add.f32.msk $0xffff, v62  }
0x15e: {  	s28 =	simm.s32 $0x0;
	s26 =	sadd.s32 $0x80, s26;
	[tilespmem:v7+s18+$0x0] =	vst.idx.add.f32.msk $0xffff, v19  }
.LBB2_17:
0x15f: {  	v6 =	vld [tilespmem:s26+$0x0];
	s28 =	sadd.s32 $0x8, s28  }
0x160: {  	v7 =	vld [tilespmem:s26+$0xFFFFFFA0];
	p0 =	slt.u32 s28, $0x180  }
0x161: {  	v8 =	vld [tilespmem:s26+$0xFFFFFFB0]  }
0x162: {  	v9 =	vld [tilespmem:s26+$0xFFFFFFC0]  }
0x163: {  	v10 =	vld [tilespmem:s26+$0xFFFFFFD0]  }
0x164: {  	v11 =	vld [tilespmem:s26+$0xFFFFFFE0];
	v6 =	vadd.s32 v5, v6  }
0x165: {  	s25 =	sadd.s32 $0x80, s25;
	v7 =	vadd.s32 v5, v7;
	v12 =	vld [tilespmem:s26+$0xFFFFFFF0];
	v6 =	vshll.u32 v6, $0x4  }
0x166: {  	v7 =	vshll.u32 v7, $0x4;
	v8 =	vadd.s32 v5, v8;
	v13 =	vld [tilespmem:s25+$0x30];
	v6 =	vor.u32 v3, v6  }
0x167: {  	v14 =	vld [tilespmem:s26+$0xFFFFFF90];
	v7 =	vor.u32 v3, v7;
	v8 =	vshll.u32 v8, $0x4;
	v9 =	vadd.s32 v5, v9  }
0x168: {  	v15 =	vld [tilespmem:s25+$0xFFFFFFC0];
	v8 =	vor.u32 v3, v8;
	v9 =	vshll.u32 v9, $0x4;
	v10 =	vadd.s32 v5, v10  }
0x169: {  	v16 =	vld [tilespmem:s25+$0xFFFFFFD0];
	v9 =	vor.u32 v3, v9;
	v10 =	vshll.u32 v10, $0x4;
	v11 =	vadd.s32 v5, v11  }
0x16a: {  	v17 =	vld [tilespmem:s25+$0xFFFFFFE0];
	v10 =	vor.u32 v3, v10;
	v11 =	vshll.u32 v11, $0x4;
	v12 =	vadd.s32 v5, v12  }
0x16b: {  	v11 =	vor.u32 v3, v11;
	v12 =	vshll.u32 v12, $0x4;
	[tilespmem:v6+s18+$0x0] =	vst.idx.add.f32.msk $0xffff, v13  }
0x16c: {  	v6 =	vadd.s32 v5, v14;
	v13 =	vld [tilespmem:s25+$0xFFFFFFF0];
	v12 =	vor.u32 v3, v12  }
0x16d: {  	v6 =	vshll.u32 v6, $0x4;
	v14 =	vld [tilespmem:s25+$0x0]  }
0x16e: {  	v6 =	vor.u32 v3, v6;
	v18 =	vld [tilespmem:s25+$0x10]  }
0x16f: {  	v19 =	vld [tilespmem:s25+$0x20]  }
0x170: {  	[tilespmem:v7+s18+$0x0] =	vst.idx.add.f32.msk $0xffff, v16  }
0x171: {  	[tilespmem:v8+s18+$0x0] =	vst.idx.add.f32.msk $0xffff, v17  }
.Ltmp7:
0x172: {  	[tilespmem:v9+s18+$0x0] =	vst.idx.add.f32.msk $0xffff, v13;
	(pc) =	sbr.rel @p0 .LBB2_17-.Ltmp7, $4  }
0x173: {  	[tilespmem:v6+s18+$0x0] =	vst.idx.add.f32.msk $0xffff, v15  }
0x174: {  	[tilespmem:v10+s18+$0x0] =	vst.idx.add.f32.msk $0xffff, v14  }
0x175: {  	[tilespmem:v11+s18+$0x0] =	vst.idx.add.f32.msk $0xffff, v18  }
0x176: {  	s26 =	sadd.s32 $0x80, s26;
	[tilespmem:v12+s18+$0x0] =	vst.idx.add.f32.msk $0xffff, v19  }
0x177: {  	s24 =	sadd.s32 $0x1, s24  }
0x178: {  	p0 =	sne.s32 s24, $0x80  }
.Ltmp8:
0x179: {  	_ = 	snop;
	(pc) =	sbr.rel @p0 .LBB2_14-.Ltmp8, $2  }
0x17a: {  	_ =	sdelay $0x2  }
0x17b: {  	s23 =	sadd.s32 $0x1, s23  }
0x17c: {  	[hbm4b:s10+s20] =	stream.strided.scatter [tilespmem:s18], [sflag:$0x3], $0x5000, s21, s20, $0x38;
	[tilespmem:$0x19500] =	vst v63  }
0x17d: {  	s22 =	sadd.s32 $0x1, s22;
	_ =	swait.ge [sflag:s13], $0x5000  }
0x17e: {  	p0 =	sne.s32 s22, s12;
	[sflag:s13] =	ssyncset.done $0x0  }
.Ltmp9:
0x17f: {  	[sflag:s13] =	ssyncadd.s32 $0xFFFFB000;
	(pc) =	sbr.rel @p0 .LBB2_1-.Ltmp9, $4  }
0x180: {  	[hbm4b:s11+s20] =	stream.strided.scatter [tilespmem:s15], [sflag:$0x3], $0x5000, s21, s20, $0x38;
	[tilespmem:$0x19500] =	vst v63  }
0x181: {  	_ =	swait.ge [sflag:s13], $0x5000  }
0x182: {  	[sflag:s13] =	ssyncset.done $0x0  }
0x183: {  	[sflag:s13] =	ssyncadd.s32 $0xFFFFB000  }
0x184: {  	_ =	sfence.sel $0x180000  }
0x185: {  	[bflag:$0x0] =	sbarrier.arrive $0xFFFF  }
0x186: {  	p0 =	sne.s32 s1, $0x0;
	_ =	strace $0x90000047  }
0x187: {  	s0 =	sadd.s32 @!p0 $0x100000, s0;
	[bflag:$0x2] =	sbarrier.arrive $0xFFFF  }
0x188: {  	[sflag:s0] =	ssyncadd.tile.s32 @!p0 $0x1;
	_ =	shalt  }
.Lfunc_end2:
_tile_overlayer_lowered:
.L_overlay_start_2:
0x189: {  	(tag) =	ssettag $0x2  }
0x18a: {  	s0 =	rddreg [dreg:$0x0];
	s2 =	stileid.u32  }
0x18b: {  	s1 =	rddreg [dreg:$0x1];
	p0 =	sne.s32 s2, $0x0  }
0x18c: {  	s3 =	rddreg [dreg:$0x2];
	[bflag:$0x3] =	sbarrier.arrive $0xFFFF;
	s2 =	simm.s32 @!p0 $0x1C03  }
0x18d: {  	[timem:s3], [sflag:s2] =	dma.local @!p0 [hbm:s0], s1  }
0x18e: {  	s0 =	simm.s32 @!p0 $0x3  }
0x18f: {  	_ =	swait.ge @!p0 [sflag:s0], s1  }
0x190: {  	s1 =	ssub.s32 @!p0 $0x0, s1;
	[sflag:s0] =	ssyncset.done @!p0 $0x0  }
0x191: {  	[sflag:s0] =	ssyncadd.s32 @!p0 s1  }
0x192: {  	[bflag:$0x3] =	sbarrier.arrive $0xFFFF  }
0x193: {  	_ =	shalt  }

</sc_bundles>
